<compile_context>
chip_gen: v7x
topology: tpu7x:2x2x1
jax: 0.10.2.dev20260603
libtpu: 0.0.44.dev20260713+nightly
codegen_flags: <defaults>
</compile_context>

<pallas_src>
import functools
import math

import jax
import jax.numpy as jnp
from jax import lax
from jax.experimental import pallas as pl
from jax.experimental.pallas import tpu as pltpu
from jax.experimental.pallas import tpu_sc as plsc

VOCAB = 100000
D = 128
SCALE = math.sqrt(128.0)

_info = plsc.get_sparse_core_info()
_NC, _NS = _info.num_cores, _info.num_subcores
NW = _NC * _NS
_L = 16

B = 4096 * 200
B_PER_W = B // NW
CHUNK = 128
N_CHUNKS = B_PER_W // CHUNK
NBUF = 5
LOOKAHEAD = 3


@functools.partial(
    pl.kernel,
    mesh=plsc.VectorSubcoreMesh(core_axis_name="c", subcore_axis_name="s"),
    out_type=jax.ShapeDtypeStruct((B, D), jnp.float32),
    scratch_types=(
        [pltpu.VMEM((N_CHUNKS, CHUNK), jnp.int32),
         pltpu.VMEM((NBUF, CHUNK, D), jnp.float32)]
        + [pltpu.SemaphoreType.DMA] * (2 * NBUF)
    ),
    compiler_params=pltpu.CompilerParams(use_tc_tiling_on_sc=True),
)
def _gather(idx_hbm, table_hbm, out_hbm, idx_v, rows_v, *sems):
    gsem = sems[:NBUF]
    osem = sems[NBUF:]
    wid = lax.axis_index("s") * _NC + lax.axis_index("c")
    base = wid * B_PER_W

    pltpu.sync_copy(idx_hbm.at[wid], idx_v)

    def start_gather(c, b):
        pltpu.async_copy(table_hbm.at[idx_v.at[c]], rows_v.at[b], gsem[b])

    def wait_gather(c, b):
        pltpu.make_async_copy(
            table_hbm.at[idx_v.at[c]], rows_v.at[b], gsem[b]).wait()

    def start_out(c, b):
        pltpu.async_copy(
            rows_v.at[b], out_hbm.at[pl.ds(base + c * CHUNK, CHUNK)], osem[b])

    def wait_out(c, b):
        pltpu.make_async_copy(
            rows_v.at[b], out_hbm.at[pl.ds(base + c * CHUNK, CHUNK)],
            osem[b]).wait()

    def scale_buf(b):
        @plsc.parallel_loop(0, CHUNK, step=1, unroll=2)
        def _(r):
            for k in range(D // _L):
                rows_v[b, r, pl.ds(k * _L, _L)] = (
                    rows_v[b, r, pl.ds(k * _L, _L)] * SCALE)

    for c in range(LOOKAHEAD):
        start_gather(c, c % NBUF)

    def outer(g, carry):
        for b in range(NBUF):
            c = g * NBUF + b
            wait_gather(c, b)
            scale_buf(b)
            start_out(c, b)
            c2 = c + LOOKAHEAD
            b2 = (b + LOOKAHEAD) % NBUF

            @pl.when(jnp.logical_and(c2 >= NBUF, c2 < N_CHUNKS))
            def _():
                wait_out(c2 - NBUF, b2)

            @pl.when(c2 < N_CHUNKS)
            def _():
                start_gather(c2, b2)
        return carry

    lax.fori_loop(0, N_CHUNKS // NBUF, outer, 0)

    for c in range(N_CHUNKS - LOOKAHEAD, N_CHUNKS):
        wait_out(c, c % NBUF)


def kernel(x, table):
    xf = x.reshape(NW, N_CHUNKS, CHUNK).astype(jnp.int32)
    out = _gather(xf, table)
    return out.reshape(x.shape[0], x.shape[1], D)

# --- scband reference (transcript-rebuilt; emitter-appended) ---
"""Pipeline reference for scband-input-embedding-22308060135772 (READ-ONLY COPY).

The authoritative reference and input builder live on the scoring server;
editing this copy changes nothing except your own understanding.
"""

import jax, jax.numpy as jnp
import numpy as np
import math

VOCAB = 100000
D_MODEL = 128

def setup_inputs(seed: int = 0) -> dict:
    key = jax.random.key(seed)
    k1, k2 = jax.random.split(key)
    x = jax.random.randint(k1, (4096, 200), 0, VOCAB)
    # learned embedding table, initialized like nn.Embedding (N(0,1))
    table = jax.random.normal(k2, (VOCAB, D_MODEL), dtype=jnp.float32)
    return {"x": x, "table": table}

def reference(x, table):
    # InputEmbedding.forward: embedding(x) * sqrt(d_model)
    emb = jnp.take(table, x, axis=0)
    return emb * math.sqrt(D_MODEL)

if __name__ == "__main__":
    import jax
    _d = setup_inputs()
    print(jax.jit(kernel)(*tuple(_d.values())))

</pallas_src>

<mosaic_0001>
#map = affine_map<(d0, d1) -> (0, 0, 0)>
#map1 = affine_map<(d0, d1) -> (0, 0)>
module attributes {stable_mosaic.version = 14 : i64} {
  func.func @_gather(%arg0: i32, %arg1: i32, %arg2: memref<32x200x128xi32, #tpu.memory_space<hbm>>, %arg3: memref<100000x128xf32, #tpu.memory_space<hbm>>, %arg4: memref<819200x128xf32, #tpu.memory_space<hbm>>, %arg5: memref<200x128xi32, #tpu.memory_space<vmem>>, %arg6: memref<5x128x128xf32, #tpu.memory_space<vmem>>, %arg7: memref<!tpu.dma_semaphore, #tpu.memory_space<semaphore_mem>>, %arg8: memref<!tpu.dma_semaphore, #tpu.memory_space<semaphore_mem>>, %arg9: memref<!tpu.dma_semaphore, #tpu.memory_space<semaphore_mem>>, %arg10: memref<!tpu.dma_semaphore, #tpu.memory_space<semaphore_mem>>, %arg11: memref<!tpu.dma_semaphore, #tpu.memory_space<semaphore_mem>>, %arg12: memref<!tpu.dma_semaphore, #tpu.memory_space<semaphore_mem>>, %arg13: memref<!tpu.dma_semaphore, #tpu.memory_space<semaphore_mem>>, %arg14: memref<!tpu.dma_semaphore, #tpu.memory_space<semaphore_mem>>, %arg15: memref<!tpu.dma_semaphore, #tpu.memory_space<semaphore_mem>>, %arg16: memref<!tpu.dma_semaphore, #tpu.memory_space<semaphore_mem>>) attributes {dimension_semantics = [#tpu.dimension_semantics<core_parallel>, #tpu.dimension_semantics<subcore_parallel>], iteration_bounds = array<i64: 2, 16>, scalar_prefetch = 0 : i64, scratch_operands = 12 : i64, tpu.core_type = #tpu.core_type<sc_vector_subcore>, window_params = [{transform_indices = #map}, {transform_indices = #map1}, {transform_indices = #map1}]} {
    %mul3A = arith.constant 2 : i32
    %mul3A_0 = arith.muli %arg1, %mul3A : i32
    %add3A = arith.addi %mul3A_0, %arg0 : i32
    %mul3A_1 = arith.constant 25600 : i32
    %mul3A_2 = arith.muli %add3A, %mul3A_1 : i32
    "tpu.region"() ({
      %run_scoped3A = tpu.sem_alloc : memref<!tpu.dma_semaphore, #tpu.memory_space<semaphore_mem>>
      %dma_start3A_87 = arith.constant 0 : i32
      %dma_start3A_88 = arith.constant 0 : i32
      %dma_start3A_89 = tpu.memref_slice %arg2[%add3A, %dma_start3A_87, %dma_start3A_88] : memref<32x200x128xi32, #tpu.memory_space<hbm>> -> memref<1x200x128xi32, #tpu.memory_space<hbm>>
      %dma_start3A_90 = tpu.memref_squeeze %dma_start3A_89 : memref<1x200x128xi32, #tpu.memory_space<hbm>> -> memref<200x128xi32, #tpu.memory_space<hbm>>
      %dma_start3A_91 = arith.constant 0 : i32
      %dma_start3A_92 = arith.constant 0 : i32
      %dma_start3A_93 = tpu.memref_slice %arg2[%add3A, %dma_start3A_91, %dma_start3A_92] : memref<32x200x128xi32, #tpu.memory_space<hbm>> -> memref<1x200x128xi32, #tpu.memory_space<hbm>>
      %dma_start3A_94 = tpu.memref_squeeze %dma_start3A_93 : memref<1x200x128xi32, #tpu.memory_space<hbm>> -> memref<200x128xi32, #tpu.memory_space<hbm>>
      tpu.enqueue_dma source(%dma_start3A_94 : memref<200x128xi32, #tpu.memory_space<hbm>>) target(%arg5 : memref<200x128xi32, #tpu.memory_space<vmem>>) target_semaphore(%run_scoped3A : memref<!tpu.dma_semaphore, #tpu.memory_space<semaphore_mem>>)
      %dma_wait3A_95 = arith.constant 0 : i32
      %dma_wait3A_96 = arith.constant 0 : i32
      %dma_wait3A_97 = tpu.memref_slice %arg2[%add3A, %dma_wait3A_95, %dma_wait3A_96] : memref<32x200x128xi32, #tpu.memory_space<hbm>> -> memref<1x200x128xi32, #tpu.memory_space<hbm>>
      %dma_wait3A_98 = tpu.memref_squeeze %dma_wait3A_97 : memref<1x200x128xi32, #tpu.memory_space<hbm>> -> memref<200x128xi32, #tpu.memory_space<hbm>>
      %dma_wait3A_99 = arith.constant 0 : i32
      %dma_wait3A_100 = arith.constant 0 : i32
      %dma_wait3A_101 = tpu.memref_slice %arg2[%add3A, %dma_wait3A_99, %dma_wait3A_100] : memref<32x200x128xi32, #tpu.memory_space<hbm>> -> memref<1x200x128xi32, #tpu.memory_space<hbm>>
      %dma_wait3A_102 = tpu.memref_squeeze %dma_wait3A_101 : memref<1x200x128xi32, #tpu.memory_space<hbm>> -> memref<200x128xi32, #tpu.memory_space<hbm>>
      tpu.wait_dma2 semaphore(%run_scoped3A : memref<!tpu.dma_semaphore, #tpu.memory_space<semaphore_mem>>) src(%dma_wait3A_102 : memref<200x128xi32, #tpu.memory_space<hbm>>) dst(%arg5 : memref<200x128xi32, #tpu.memory_space<vmem>>)
      tpu.yield
    }) : () -> ()
    %dma_start3A = arith.constant 0 : i32
    %dma_start3A_3 = arith.constant 0 : i32
    %dma_start3A_4 = arith.constant 0 : i32
    %dma_start3A_5 = arith.constant 0 : i32
    %dma_start3A_6 = tpu.memref_slice %arg6[%dma_start3A_3, %dma_start3A_4, %dma_start3A_5] : memref<5x128x128xf32, #tpu.memory_space<vmem>> -> memref<1x128x128xf32, #tpu.memory_space<vmem>>
    %dma_start3A_7 = tpu.memref_squeeze %dma_start3A_6 : memref<1x128x128xf32, #tpu.memory_space<vmem>> -> memref<128x128xf32, #tpu.memory_space<vmem>>
    %dma_start3A_8 = arith.constant 0 : i32
    %dma_start3A_9 = tpu.memref_slice %arg5[%dma_start3A, %dma_start3A_8] : memref<200x128xi32, #tpu.memory_space<vmem>> -> memref<1x128xi32, #tpu.memory_space<vmem>>
    %dma_start3A_10 = tpu.memref_squeeze %dma_start3A_9 : memref<1x128xi32, #tpu.memory_space<vmem>> -> memref<128xi32, #tpu.memory_space<vmem>>
    %dma_start3A_11 = arith.constant 0 : i32
    %dma_start3A_12 = arith.constant 0 : i32
    %dma_start3A_13 = tpu.memref_slice %arg3[%dma_start3A_11, %dma_start3A_12] : memref<100000x128xf32, #tpu.memory_space<hbm>> -> memref<100000x128xf32, #tpu.memory_space<hbm>>
    tpu.enqueue_indirect_dma source(%dma_start3A_13 : memref<100000x128xf32, #tpu.memory_space<hbm>>) target(%dma_start3A_7 : memref<128x128xf32, #tpu.memory_space<vmem>>) offsets(%dma_start3A_10 : memref<128xi32, #tpu.memory_space<vmem>>) semaphore(%arg7 : memref<!tpu.dma_semaphore, #tpu.memory_space<semaphore_mem>>)
    %dma_start3A_14 = arith.constant 1 : i32
    %dma_start3A_15 = arith.constant 1 : i32
    %dma_start3A_16 = arith.constant 0 : i32
    %dma_start3A_17 = arith.constant 0 : i32
    %dma_start3A_18 = tpu.memref_slice %arg6[%dma_start3A_15, %dma_start3A_16, %dma_start3A_17] : memref<5x128x128xf32, #tpu.memory_space<vmem>> -> memref<1x128x128xf32, #tpu.memory_space<vmem>>
    %dma_start3A_19 = tpu.memref_squeeze %dma_start3A_18 : memref<1x128x128xf32, #tpu.memory_space<vmem>> -> memref<128x128xf32, #tpu.memory_space<vmem>>
    %dma_start3A_20 = arith.constant 0 : i32
    %dma_start3A_21 = tpu.memref_slice %arg5[%dma_start3A_14, %dma_start3A_20] : memref<200x128xi32, #tpu.memory_space<vmem>> -> memref<1x128xi32, #tpu.memory_space<vmem>>
    %dma_start3A_22 = tpu.memref_squeeze %dma_start3A_21 : memref<1x128xi32, #tpu.memory_space<vmem>> -> memref<128xi32, #tpu.memory_space<vmem>>
    %dma_start3A_23 = arith.constant 0 : i32
    %dma_start3A_24 = arith.constant 0 : i32
    %dma_start3A_25 = tpu.memref_slice %arg3[%dma_start3A_23, %dma_start3A_24] : memref<100000x128xf32, #tpu.memory_space<hbm>> -> memref<100000x128xf32, #tpu.memory_space<hbm>>
    tpu.enqueue_indirect_dma source(%dma_start3A_25 : memref<100000x128xf32, #tpu.memory_space<hbm>>) target(%dma_start3A_19 : memref<128x128xf32, #tpu.memory_space<vmem>>) offsets(%dma_start3A_22 : memref<128xi32, #tpu.memory_space<vmem>>) semaphore(%arg8 : memref<!tpu.dma_semaphore, #tpu.memory_space<semaphore_mem>>)
    %dma_start3A_26 = arith.constant 2 : i32
    %dma_start3A_27 = arith.constant 2 : i32
    %dma_start3A_28 = arith.constant 0 : i32
    %dma_start3A_29 = arith.constant 0 : i32
    %dma_start3A_30 = tpu.memref_slice %arg6[%dma_start3A_27, %dma_start3A_28, %dma_start3A_29] : memref<5x128x128xf32, #tpu.memory_space<vmem>> -> memref<1x128x128xf32, #tpu.memory_space<vmem>>
    %dma_start3A_31 = tpu.memref_squeeze %dma_start3A_30 : memref<1x128x128xf32, #tpu.memory_space<vmem>> -> memref<128x128xf32, #tpu.memory_space<vmem>>
    %dma_start3A_32 = arith.constant 0 : i32
    %dma_start3A_33 = tpu.memref_slice %arg5[%dma_start3A_26, %dma_start3A_32] : memref<200x128xi32, #tpu.memory_space<vmem>> -> memref<1x128xi32, #tpu.memory_space<vmem>>
    %dma_start3A_34 = tpu.memref_squeeze %dma_start3A_33 : memref<1x128xi32, #tpu.memory_space<vmem>> -> memref<128xi32, #tpu.memory_space<vmem>>
    %dma_start3A_35 = arith.constant 0 : i32
    %dma_start3A_36 = arith.constant 0 : i32
    %dma_start3A_37 = tpu.memref_slice %arg3[%dma_start3A_35, %dma_start3A_36] : memref<100000x128xf32, #tpu.memory_space<hbm>> -> memref<100000x128xf32, #tpu.memory_space<hbm>>
    tpu.enqueue_indirect_dma source(%dma_start3A_37 : memref<100000x128xf32, #tpu.memory_space<hbm>>) target(%dma_start3A_31 : memref<128x128xf32, #tpu.memory_space<vmem>>) offsets(%dma_start3A_34 : memref<128xi32, #tpu.memory_space<vmem>>) semaphore(%arg9 : memref<!tpu.dma_semaphore, #tpu.memory_space<semaphore_mem>>)
    %scan3A = arith.constant 0 : i32
    %scan3A_38 = arith.constant 0 : i32
    %scan3A_39 = arith.constant 40 : i32
    %scan3A_40 = arith.addi %scan3A_38, %scan3A_39 : i32
    %scan3A_41 = arith.constant 1 : i32
    scf.for %scan3A_87 = %scan3A_38 to %scan3A_40 step %scan3A_41  : i32 {
      %mul3A_88 = arith.constant 5 : i32
      %mul3A_89 = arith.muli %scan3A_87, %mul3A_88 : i32
      %add3A_90 = arith.constant 0 : i32
      %add3A_91 = arith.addi %mul3A_89, %add3A_90 : i32
      %dma_wait3A_92 = arith.constant 0 : i32
      %dma_wait3A_93 = arith.constant 0 : i32
      %dma_wait3A_94 = arith.constant 0 : i32
      %dma_wait3A_95 = tpu.memref_slice %arg6[%dma_wait3A_92, %dma_wait3A_93, %dma_wait3A_94] : memref<5x128x128xf32, #tpu.memory_space<vmem>> -> memref<1x128x128xf32, #tpu.memory_space<vmem>>
      %dma_wait3A_96 = tpu.memref_squeeze %dma_wait3A_95 : memref<1x128x128xf32, #tpu.memory_space<vmem>> -> memref<128x128xf32, #tpu.memory_space<vmem>>
      %dma_wait3A_97 = arith.constant 0 : i32
      %dma_wait3A_98 = tpu.memref_slice %arg5[%add3A_91, %dma_wait3A_97] : memref<200x128xi32, #tpu.memory_space<vmem>> -> memref<1x128xi32, #tpu.memory_space<vmem>>
      %dma_wait3A_99 = tpu.memref_squeeze %dma_wait3A_98 : memref<1x128xi32, #tpu.memory_space<vmem>> -> memref<128xi32, #tpu.memory_space<vmem>>
      %dma_wait3A_100 = arith.constant 0 : i32
      %dma_wait3A_101 = arith.constant 0 : i32
      %dma_wait3A_102 = tpu.memref_slice %arg3[%dma_wait3A_100, %dma_wait3A_101] : memref<100000x128xf32, #tpu.memory_space<hbm>> -> memref<100000x128xf32, #tpu.memory_space<hbm>>
      tpu.wait_indirect_dma semaphore(%arg7 : memref<!tpu.dma_semaphore, #tpu.memory_space<semaphore_mem>>) src(%dma_wait3A_102 : memref<100000x128xf32, #tpu.memory_space<hbm>>) dst(%dma_wait3A_96 : memref<128x128xf32, #tpu.memory_space<vmem>>)
      %parallel_loop3A = arith.constant 0 : i32
      %parallel_loop3A_103 = arith.constant 128 : i32
      %parallel_loop3A_104 = arith.constant 1 : i32
      scf.for %parallel_loop3A_327 = %parallel_loop3A to %parallel_loop3A_103 step %parallel_loop3A_104  : i32 {
        %parallel_loop3A_328 = arith.constant 0 : i32
        %parallel_loop3A_329 = arith.index_cast %parallel_loop3A_328 : i32 to index
        %parallel_loop3A_330 = arith.index_cast %parallel_loop3A_327 : i32 to index
        %parallel_loop3A_331 = arith.constant 0 : index
        %parallel_loop3A_332 = tpu.vector_load %arg6[%parallel_loop3A_329, %parallel_loop3A_330, %parallel_loop3A_331] {strides = array<i32>} : memref<5x128x128xf32, #tpu.memory_space<vmem>>, vector<1x1x16xf32>,
        %parallel_loop3A_333 = vector.shape_cast %parallel_loop3A_332 : vector<1x1x16xf32> to vector<16xf32>
        %parallel_loop3A_334 = arith.constant 11.3137083 : f32
        %parallel_loop3A_335 = vector.broadcast %parallel_loop3A_334 : f32 to vector<16xf32>
        %parallel_loop3A_336 = arith.mulf %parallel_loop3A_333, %parallel_loop3A_335 : vector<16xf32>
        %parallel_loop3A_337 = arith.constant 0 : i32
        %parallel_loop3A_338 = arith.index_cast %parallel_loop3A_337 : i32 to index
        %parallel_loop3A_339 = arith.index_cast %parallel_loop3A_327 : i32 to index
        %parallel_loop3A_340 = arith.constant 0 : index
        %parallel_loop3A_341 = tpu.vector_load %arg6[%parallel_loop3A_338, %parallel_loop3A_339, %parallel_loop3A_340] {strides = array<i32>} : memref<5x128x128xf32, #tpu.memory_space<vmem>>, vector<1x1x16xf32>,
        %parallel_loop3A_342 = vector.shape_cast %parallel_loop3A_341 : vector<1x1x16xf32> to vector<16xf32>
        %parallel_loop3A_343 = vector.shape_cast %parallel_loop3A_336 : vector<16xf32> to vector<1x1x16xf32>
        tpu.vector_store %arg6[%parallel_loop3A_338, %parallel_loop3A_339, %parallel_loop3A_340], %parallel_loop3A_343 {strides = array<i32>} : memref<5x128x128xf32, #tpu.memory_space<vmem>>, vector<1x1x16xf32>,
        %parallel_loop3A_344 = arith.constant 0 : i32
        %parallel_loop3A_345 = arith.index_cast %parallel_loop3A_344 : i32 to index
        %parallel_loop3A_346 = arith.index_cast %parallel_loop3A_327 : i32 to index
        %parallel_loop3A_347 = arith.constant 16 : index
        %parallel_loop3A_348 = tpu.vector_load %arg6[%parallel_loop3A_345, %parallel_loop3A_346, %parallel_loop3A_347] {strides = array<i32>} : memref<5x128x128xf32, #tpu.memory_space<vmem>>, vector<1x1x16xf32>,
        %parallel_loop3A_349 = vector.shape_cast %parallel_loop3A_348 : vector<1x1x16xf32> to vector<16xf32>
        %parallel_loop3A_350 = arith.constant 11.3137083 : f32
        %parallel_loop3A_351 = vector.broadcast %parallel_loop3A_350 : f32 to vector<16xf32>
        %parallel_loop3A_352 = arith.mulf %parallel_loop3A_349, %parallel_loop3A_351 : vector<16xf32>
        %parallel_loop3A_353 = arith.constant 0 : i32
        %parallel_loop3A_354 = arith.index_cast %parallel_loop3A_353 : i32 to index
        %parallel_loop3A_355 = arith.index_cast %parallel_loop3A_327 : i32 to index
        %parallel_loop3A_356 = arith.constant 16 : index
        %parallel_loop3A_357 = tpu.vector_load %arg6[%parallel_loop3A_354, %parallel_loop3A_355, %parallel_loop3A_356] {strides = array<i32>} : memref<5x128x128xf32, #tpu.memory_space<vmem>>, vector<1x1x16xf32>,
        %parallel_loop3A_358 = vector.shape_cast %parallel_loop3A_357 : vector<1x1x16xf32> to vector<16xf32>
        %parallel_loop3A_359 = vector.shape_cast %parallel_loop3A_352 : vector<16xf32> to vector<1x1x16xf32>
        tpu.vector_store %arg6[%parallel_loop3A_354, %parallel_loop3A_355, %parallel_loop3A_356], %parallel_loop3A_359 {strides = array<i32>} : memref<5x128x128xf32, #tpu.memory_space<vmem>>, vector<1x1x16xf32>,
        %parallel_loop3A_360 = arith.constant 0 : i32
        %parallel_loop3A_361 = arith.index_cast %parallel_loop3A_360 : i32 to index
        %parallel_loop3A_362 = arith.index_cast %parallel_loop3A_327 : i32 to index
        %parallel_loop3A_363 = arith.constant 32 : index
        %parallel_loop3A_364 = tpu.vector_load %arg6[%parallel_loop3A_361, %parallel_loop3A_362, %parallel_loop3A_363] {strides = array<i32>} : memref<5x128x128xf32, #tpu.memory_space<vmem>>, vector<1x1x16xf32>,
        %parallel_loop3A_365 = vector.shape_cast %parallel_loop3A_364 : vector<1x1x16xf32> to vector<16xf32>
        %parallel_loop3A_366 = arith.constant 11.3137083 : f32
        %parallel_loop3A_367 = vector.broadcast %parallel_loop3A_366 : f32 to vector<16xf32>
        %parallel_loop3A_368 = arith.mulf %parallel_loop3A_365, %parallel_loop3A_367 : vector<16xf32>
        %parallel_loop3A_369 = arith.constant 0 : i32
        %parallel_loop3A_370 = arith.index_cast %parallel_loop3A_369 : i32 to index
        %parallel_loop3A_371 = arith.index_cast %parallel_loop3A_327 : i32 to index
        %parallel_loop3A_372 = arith.constant 32 : index
        %parallel_loop3A_373 = tpu.vector_load %arg6[%parallel_loop3A_370, %parallel_loop3A_371, %parallel_loop3A_372] {strides = array<i32>} : memref<5x128x128xf32, #tpu.memory_space<vmem>>, vector<1x1x16xf32>,
        %parallel_loop3A_374 = vector.shape_cast %parallel_loop3A_373 : vector<1x1x16xf32> to vector<16xf32>
        %parallel_loop3A_375 = vector.shape_cast %parallel_loop3A_368 : vector<16xf32> to vector<1x1x16xf32>
        tpu.vector_store %arg6[%parallel_loop3A_370, %parallel_loop3A_371, %parallel_loop3A_372], %parallel_loop3A_375 {strides = array<i32>} : memref<5x128x128xf32, #tpu.memory_space<vmem>>, vector<1x1x16xf32>,
        %parallel_loop3A_376 = arith.constant 0 : i32
        %parallel_loop3A_377 = arith.index_cast %parallel_loop3A_376 : i32 to index
        %parallel_loop3A_378 = arith.index_cast %parallel_loop3A_327 : i32 to index
        %parallel_loop3A_379 = arith.constant 48 : index
        %parallel_loop3A_380 = tpu.vector_load %arg6[%parallel_loop3A_377, %parallel_loop3A_378, %parallel_loop3A_379] {strides = array<i32>} : memref<5x128x128xf32, #tpu.memory_space<vmem>>, vector<1x1x16xf32>,
        %parallel_loop3A_381 = vector.shape_cast %parallel_loop3A_380 : vector<1x1x16xf32> to vector<16xf32>
        %parallel_loop3A_382 = arith.constant 11.3137083 : f32
        %parallel_loop3A_383 = vector.broadcast %parallel_loop3A_382 : f32 to vector<16xf32>
        %parallel_loop3A_384 = arith.mulf %parallel_loop3A_381, %parallel_loop3A_383 : vector<16xf32>
        %parallel_loop3A_385 = arith.constant 0 : i32
        %parallel_loop3A_386 = arith.index_cast %parallel_loop3A_385 : i32 to index
        %parallel_loop3A_387 = arith.index_cast %parallel_loop3A_327 : i32 to index
        %parallel_loop3A_388 = arith.constant 48 : index
        %parallel_loop3A_389 = tpu.vector_load %arg6[%parallel_loop3A_386, %parallel_loop3A_387, %parallel_loop3A_388] {strides = array<i32>} : memref<5x128x128xf32, #tpu.memory_space<vmem>>, vector<1x1x16xf32>,
        %parallel_loop3A_390 = vector.shape_cast %parallel_loop3A_389 : vector<1x1x16xf32> to vector<16xf32>
        %parallel_loop3A_391 = vector.shape_cast %parallel_loop3A_384 : vector<16xf32> to vector<1x1x16xf32>
        tpu.vector_store %arg6[%parallel_loop3A_386, %parallel_loop3A_387, %parallel_loop3A_388], %parallel_loop3A_391 {strides = array<i32>} : memref<5x128x128xf32, #tpu.memory_space<vmem>>, vector<1x1x16xf32>,
        %parallel_loop3A_392 = arith.constant 0 : i32
        %parallel_loop3A_393 = arith.index_cast %parallel_loop3A_392 : i32 to index
        %parallel_loop3A_394 = arith.index_cast %parallel_loop3A_327 : i32 to index
        %parallel_loop3A_395 = arith.constant 64 : index
        %parallel_loop3A_396 = tpu.vector_load %arg6[%parallel_loop3A_393, %parallel_loop3A_394, %parallel_loop3A_395] {strides = array<i32>} : memref<5x128x128xf32, #tpu.memory_space<vmem>>, vector<1x1x16xf32>,
        %parallel_loop3A_397 = vector.shape_cast %parallel_loop3A_396 : vector<1x1x16xf32> to vector<16xf32>
        %parallel_loop3A_398 = arith.constant 11.3137083 : f32
        %parallel_loop3A_399 = vector.broadcast %parallel_loop3A_398 : f32 to vector<16xf32>
        %parallel_loop3A_400 = arith.mulf %parallel_loop3A_397, %parallel_loop3A_399 : vector<16xf32>
        %parallel_loop3A_401 = arith.constant 0 : i32
        %parallel_loop3A_402 = arith.index_cast %parallel_loop3A_401 : i32 to index
        %parallel_loop3A_403 = arith.index_cast %parallel_loop3A_327 : i32 to index
        %parallel_loop3A_404 = arith.constant 64 : index
        %parallel_loop3A_405 = tpu.vector_load %arg6[%parallel_loop3A_402, %parallel_loop3A_403, %parallel_loop3A_404] {strides = array<i32>} : memref<5x128x128xf32, #tpu.memory_space<vmem>>, vector<1x1x16xf32>,
        %parallel_loop3A_406 = vector.shape_cast %parallel_loop3A_405 : vector<1x1x16xf32> to vector<16xf32>
        %parallel_loop3A_407 = vector.shape_cast %parallel_loop3A_400 : vector<16xf32> to vector<1x1x16xf32>
        tpu.vector_store %arg6[%parallel_loop3A_402, %parallel_loop3A_403, %parallel_loop3A_404], %parallel_loop3A_407 {strides = array<i32>} : memref<5x128x128xf32, #tpu.memory_space<vmem>>, vector<1x1x16xf32>,
        %parallel_loop3A_408 = arith.constant 0 : i32
        %parallel_loop3A_409 = arith.index_cast %parallel_loop3A_408 : i32 to index
        %parallel_loop3A_410 = arith.index_cast %parallel_loop3A_327 : i32 to index
        %parallel_loop3A_411 = arith.constant 80 : index
        %parallel_loop3A_412 = tpu.vector_load %arg6[%parallel_loop3A_409, %parallel_loop3A_410, %parallel_loop3A_411] {strides = array<i32>} : memref<5x128x128xf32, #tpu.memory_space<vmem>>, vector<1x1x16xf32>,
        %parallel_loop3A_413 = vector.shape_cast %parallel_loop3A_412 : vector<1x1x16xf32> to vector<16xf32>
        %parallel_loop3A_414 = arith.constant 11.3137083 : f32
        %parallel_loop3A_415 = vector.broadcast %parallel_loop3A_414 : f32 to vector<16xf32>
        %parallel_loop3A_416 = arith.mulf %parallel_loop3A_413, %parallel_loop3A_415 : vector<16xf32>
        %parallel_loop3A_417 = arith.constant 0 : i32
        %parallel_loop3A_418 = arith.index_cast %parallel_loop3A_417 : i32 to index
        %parallel_loop3A_419 = arith.index_cast %parallel_loop3A_327 : i32 to index
        %parallel_loop3A_420 = arith.constant 80 : index
        %parallel_loop3A_421 = tpu.vector_load %arg6[%parallel_loop3A_418, %parallel_loop3A_419, %parallel_loop3A_420] {strides = array<i32>} : memref<5x128x128xf32, #tpu.memory_space<vmem>>, vector<1x1x16xf32>,
        %parallel_loop3A_422 = vector.shape_cast %parallel_loop3A_421 : vector<1x1x16xf32> to vector<16xf32>
        %parallel_loop3A_423 = vector.shape_cast %parallel_loop3A_416 : vector<16xf32> to vector<1x1x16xf32>
        tpu.vector_store %arg6[%parallel_loop3A_418, %parallel_loop3A_419, %parallel_loop3A_420], %parallel_loop3A_423 {strides = array<i32>} : memref<5x128x128xf32, #tpu.memory_space<vmem>>, vector<1x1x16xf32>,
        %parallel_loop3A_424 = arith.constant 0 : i32
        %parallel_loop3A_425 = arith.index_cast %parallel_loop3A_424 : i32 to index
        %parallel_loop3A_426 = arith.index_cast %parallel_loop3A_327 : i32 to index
        %parallel_loop3A_427 = arith.constant 96 : index
        %parallel_loop3A_428 = tpu.vector_load %arg6[%parallel_loop3A_425, %parallel_loop3A_426, %parallel_loop3A_427] {strides = array<i32>} : memref<5x128x128xf32, #tpu.memory_space<vmem>>, vector<1x1x16xf32>,
        %parallel_loop3A_429 = vector.shape_cast %parallel_loop3A_428 : vector<1x1x16xf32> to vector<16xf32>
        %parallel_loop3A_430 = arith.constant 11.3137083 : f32
        %parallel_loop3A_431 = vector.broadcast %parallel_loop3A_430 : f32 to vector<16xf32>
        %parallel_loop3A_432 = arith.mulf %parallel_loop3A_429, %parallel_loop3A_431 : vector<16xf32>
        %parallel_loop3A_433 = arith.constant 0 : i32
        %parallel_loop3A_434 = arith.index_cast %parallel_loop3A_433 : i32 to index
        %parallel_loop3A_435 = arith.index_cast %parallel_loop3A_327 : i32 to index
        %parallel_loop3A_436 = arith.constant 96 : index
        %parallel_loop3A_437 = tpu.vector_load %arg6[%parallel_loop3A_434, %parallel_loop3A_435, %parallel_loop3A_436] {strides = array<i32>} : memref<5x128x128xf32, #tpu.memory_space<vmem>>, vector<1x1x16xf32>,
        %parallel_loop3A_438 = vector.shape_cast %parallel_loop3A_437 : vector<1x1x16xf32> to vector<16xf32>
        %parallel_loop3A_439 = vector.shape_cast %parallel_loop3A_432 : vector<16xf32> to vector<1x1x16xf32>
        tpu.vector_store %arg6[%parallel_loop3A_434, %parallel_loop3A_435, %parallel_loop3A_436], %parallel_loop3A_439 {strides = array<i32>} : memref<5x128x128xf32, #tpu.memory_space<vmem>>, vector<1x1x16xf32>,
        %parallel_loop3A_440 = arith.constant 0 : i32
        %parallel_loop3A_441 = arith.index_cast %parallel_loop3A_440 : i32 to index
        %parallel_loop3A_442 = arith.index_cast %parallel_loop3A_327 : i32 to index
        %parallel_loop3A_443 = arith.constant 112 : index
        %parallel_loop3A_444 = tpu.vector_load %arg6[%parallel_loop3A_441, %parallel_loop3A_442, %parallel_loop3A_443] {strides = array<i32>} : memref<5x128x128xf32, #tpu.memory_space<vmem>>, vector<1x1x16xf32>,
        %parallel_loop3A_445 = vector.shape_cast %parallel_loop3A_444 : vector<1x1x16xf32> to vector<16xf32>
        %parallel_loop3A_446 = arith.constant 11.3137083 : f32
        %parallel_loop3A_447 = vector.broadcast %parallel_loop3A_446 : f32 to vector<16xf32>
        %parallel_loop3A_448 = arith.mulf %parallel_loop3A_445, %parallel_loop3A_447 : vector<16xf32>
        %parallel_loop3A_449 = arith.constant 0 : i32
        %parallel_loop3A_450 = arith.index_cast %parallel_loop3A_449 : i32 to index
        %parallel_loop3A_451 = arith.index_cast %parallel_loop3A_327 : i32 to index
        %parallel_loop3A_452 = arith.constant 112 : index
        %parallel_loop3A_453 = tpu.vector_load %arg6[%parallel_loop3A_450, %parallel_loop3A_451, %parallel_loop3A_452] {strides = array<i32>} : memref<5x128x128xf32, #tpu.memory_space<vmem>>, vector<1x1x16xf32>,
        %parallel_loop3A_454 = vector.shape_cast %parallel_loop3A_453 : vector<1x1x16xf32> to vector<16xf32>
        %parallel_loop3A_455 = vector.shape_cast %parallel_loop3A_448 : vector<16xf32> to vector<1x1x16xf32>
        tpu.vector_store %arg6[%parallel_loop3A_450, %parallel_loop3A_451, %parallel_loop3A_452], %parallel_loop3A_455 {strides = array<i32>} : memref<5x128x128xf32, #tpu.memory_space<vmem>>, vector<1x1x16xf32>,
      } {sc.loop_unroll_factor = 2 : i64, sc.parallel_access}
      %mul3A_105 = arith.constant 128 : i32
      %mul3A_106 = arith.muli %add3A_91, %mul3A_105 : i32
      %add3A_107 = arith.addi %mul3A_2, %mul3A_106 : i32
      %dma_start3A_108 = arith.constant 0 : i32
      %dma_start3A_109 = arith.constant 0 : i32
      %dma_start3A_110 = arith.constant 0 : i32
      %dma_start3A_111 = tpu.memref_slice %arg6[%dma_start3A_108, %dma_start3A_109, %dma_start3A_110] : memref<5x128x128xf32, #tpu.memory_space<vmem>> -> memref<1x128x128xf32, #tpu.memory_space<vmem>>
      %dma_start3A_112 = tpu.memref_squeeze %dma_start3A_111 : memref<1x128x128xf32, #tpu.memory_space<vmem>> -> memref<128x128xf32, #tpu.memory_space<vmem>>
      %dma_start3A_113 = arith.constant 0 : i32
      %dma_start3A_114 = tpu.memref_slice %arg4[%add3A_107, %dma_start3A_113] : memref<819200x128xf32, #tpu.memory_space<hbm>> -> memref<128x128xf32, #tpu.memory_space<hbm>>
      %dma_start3A_115 = arith.constant 0 : i32
      %dma_start3A_116 = tpu.memref_slice %arg4[%add3A_107, %dma_start3A_115] : memref<819200x128xf32, #tpu.memory_space<hbm>> -> memref<128x128xf32, #tpu.memory_space<hbm>>
      %dma_start3A_117 = arith.constant 0 : i32
      %dma_start3A_118 = arith.constant 0 : i32
      %dma_start3A_119 = tpu.memref_slice %arg6[%dma_start3A_108, %dma_start3A_117, %dma_start3A_118] : memref<5x128x128xf32, #tpu.memory_space<vmem>> -> memref<1x128x128xf32, #tpu.memory_space<vmem>>
      %dma_start3A_120 = tpu.memref_squeeze %dma_start3A_119 : memref<1x128x128xf32, #tpu.memory_space<vmem>> -> memref<128x128xf32, #tpu.memory_space<vmem>>
      tpu.enqueue_dma source(%dma_start3A_120 : memref<128x128xf32, #tpu.memory_space<vmem>>) target(%dma_start3A_116 : memref<128x128xf32, #tpu.memory_space<hbm>>) target_semaphore(%arg12 : memref<!tpu.dma_semaphore, #tpu.memory_space<semaphore_mem>>)
      %add3A_121 = arith.constant 3 : i32
      %add3A_122 = arith.addi %add3A_91, %add3A_121 : i32
      %ge3A = arith.constant 5 : i32
      %ge3A_123 = arith.cmpi sge, %add3A_122, %ge3A : i32
      %lt3A = arith.constant 200 : i32
      %lt3A_124 = arith.cmpi slt, %add3A_122, %lt3A : i32
      %and3A = arith.andi %ge3A_123, %lt3A_124 : i1
      %convert_element_type3A = arith.extui %and3A : i1 to i32
      %cond3A = arith.constant 0 : i32
      %cond3A_125 = arith.cmpi ne, %convert_element_type3A, %cond3A : i32
      scf.if %cond3A_125 {
        %sub3A = arith.constant 5 : i32
        %sub3A_327 = arith.subi %add3A_122, %sub3A : i32
        %mul3A_328 = arith.constant 128 : i32
        %mul3A_329 = arith.muli %sub3A_327, %mul3A_328 : i32
        %add3A_330 = arith.addi %mul3A_2, %mul3A_329 : i32
        %dma_wait3A_331 = arith.constant 3 : i32
        %dma_wait3A_332 = arith.constant 0 : i32
        %dma_wait3A_333 = arith.constant 0 : i32
        %dma_wait3A_334 = tpu.memref_slice %arg6[%dma_wait3A_331, %dma_wait3A_332, %dma_wait3A_333] : memref<5x128x128xf32, #tpu.memory_space<vmem>> -> memref<1x128x128xf32, #tpu.memory_space<vmem>>
        %dma_wait3A_335 = tpu.memref_squeeze %dma_wait3A_334 : memref<1x128x128xf32, #tpu.memory_space<vmem>> -> memref<128x128xf32, #tpu.memory_space<vmem>>
        %dma_wait3A_336 = arith.constant 0 : i32
        %dma_wait3A_337 = tpu.memref_slice %arg4[%add3A_330, %dma_wait3A_336] : memref<819200x128xf32, #tpu.memory_space<hbm>> -> memref<128x128xf32, #tpu.memory_space<hbm>>
        %dma_wait3A_338 = arith.constant 0 : i32
        %dma_wait3A_339 = tpu.memref_slice %arg4[%add3A_330, %dma_wait3A_338] : memref<819200x128xf32, #tpu.memory_space<hbm>> -> memref<128x128xf32, #tpu.memory_space<hbm>>
        %dma_wait3A_340 = arith.constant 0 : i32
        %dma_wait3A_341 = arith.constant 0 : i32
        %dma_wait3A_342 = tpu.memref_slice %arg6[%dma_wait3A_331, %dma_wait3A_340, %dma_wait3A_341] : memref<5x128x128xf32, #tpu.memory_space<vmem>> -> memref<1x128x128xf32, #tpu.memory_space<vmem>>
        %dma_wait3A_343 = tpu.memref_squeeze %dma_wait3A_342 : memref<1x128x128xf32, #tpu.memory_space<vmem>> -> memref<128x128xf32, #tpu.memory_space<vmem>>
        tpu.wait_dma2 semaphore(%arg15 : memref<!tpu.dma_semaphore, #tpu.memory_space<semaphore_mem>>) src(%dma_wait3A_343 : memref<128x128xf32, #tpu.memory_space<vmem>>) dst(%dma_wait3A_339 : memref<128x128xf32, #tpu.memory_space<hbm>>)
      } else {
      }
      %lt3A_126 = arith.constant 200 : i32
      %lt3A_127 = arith.cmpi slt, %add3A_122, %lt3A_126 : i32
      %convert_element_type3A_128 = arith.extui %lt3A_127 : i1 to i32
      %cond3A_129 = arith.constant 0 : i32
      %cond3A_130 = arith.cmpi ne, %convert_element_type3A_128, %cond3A_129 : i32
      scf.if %cond3A_130 {
        %dma_start3A_327 = arith.constant 3 : i32
        %dma_start3A_328 = arith.constant 0 : i32
        %dma_start3A_329 = arith.constant 0 : i32
        %dma_start3A_330 = tpu.memref_slice %arg6[%dma_start3A_327, %dma_start3A_328, %dma_start3A_329] : memref<5x128x128xf32, #tpu.memory_space<vmem>> -> memref<1x128x128xf32, #tpu.memory_space<vmem>>
        %dma_start3A_331 = tpu.memref_squeeze %dma_start3A_330 : memref<1x128x128xf32, #tpu.memory_space<vmem>> -> memref<128x128xf32, #tpu.memory_space<vmem>>
        %dma_start3A_332 = arith.constant 0 : i32
        %dma_start3A_333 = tpu.memref_slice %arg5[%add3A_122, %dma_start3A_332] : memref<200x128xi32, #tpu.memory_space<vmem>> -> memref<1x128xi32, #tpu.memory_space<vmem>>
        %dma_start3A_334 = tpu.memref_squeeze %dma_start3A_333 : memref<1x128xi32, #tpu.memory_space<vmem>> -> memref<128xi32, #tpu.memory_space<vmem>>
        %dma_start3A_335 = arith.constant 0 : i32
        %dma_start3A_336 = arith.constant 0 : i32
        %dma_start3A_337 = tpu.memref_slice %arg3[%dma_start3A_335, %dma_start3A_336] : memref<100000x128xf32, #tpu.memory_space<hbm>> -> memref<100000x128xf32, #tpu.memory_space<hbm>>
        tpu.enqueue_indirect_dma source(%dma_start3A_337 : memref<100000x128xf32, #tpu.memory_space<hbm>>) target(%dma_start3A_331 : memref<128x128xf32, #tpu.memory_space<vmem>>) offsets(%dma_start3A_334 : memref<128xi32, #tpu.memory_space<vmem>>) semaphore(%arg10 : memref<!tpu.dma_semaphore, #tpu.memory_space<semaphore_mem>>)
      } else {
      }
      %mul3A_131 = arith.constant 5 : i32
      %mul3A_132 = arith.muli %scan3A_87, %mul3A_131 : i32
      %add3A_133 = arith.constant 1 : i32
      %add3A_134 = arith.addi %mul3A_132, %add3A_133 : i32
      %dma_wait3A_135 = arith.constant 1 : i32
      %dma_wait3A_136 = arith.constant 0 : i32
      %dma_wait3A_137 = arith.constant 0 : i32
      %dma_wait3A_138 = tpu.memref_slice %arg6[%dma_wait3A_135, %dma_wait3A_136, %dma_wait3A_137] : memref<5x128x128xf32, #tpu.memory_space<vmem>> -> memref<1x128x128xf32, #tpu.memory_space<vmem>>
      %dma_wait3A_139 = tpu.memref_squeeze %dma_wait3A_138 : memref<1x128x128xf32, #tpu.memory_space<vmem>> -> memref<128x128xf32, #tpu.memory_space<vmem>>
      %dma_wait3A_140 = arith.constant 0 : i32
      %dma_wait3A_141 = tpu.memref_slice %arg5[%add3A_134, %dma_wait3A_140] : memref<200x128xi32, #tpu.memory_space<vmem>> -> memref<1x128xi32, #tpu.memory_space<vmem>>
      %dma_wait3A_142 = tpu.memref_squeeze %dma_wait3A_141 : memref<1x128xi32, #tpu.memory_space<vmem>> -> memref<128xi32, #tpu.memory_space<vmem>>
      %dma_wait3A_143 = arith.constant 0 : i32
      %dma_wait3A_144 = arith.constant 0 : i32
      %dma_wait3A_145 = tpu.memref_slice %arg3[%dma_wait3A_143, %dma_wait3A_144] : memref<100000x128xf32, #tpu.memory_space<hbm>> -> memref<100000x128xf32, #tpu.memory_space<hbm>>
      tpu.wait_indirect_dma semaphore(%arg8 : memref<!tpu.dma_semaphore, #tpu.memory_space<semaphore_mem>>) src(%dma_wait3A_145 : memref<100000x128xf32, #tpu.memory_space<hbm>>) dst(%dma_wait3A_139 : memref<128x128xf32, #tpu.memory_space<vmem>>)
      %parallel_loop3A_146 = arith.constant 0 : i32
      %parallel_loop3A_147 = arith.constant 128 : i32
      %parallel_loop3A_148 = arith.constant 1 : i32
      scf.for %parallel_loop3A_327 = %parallel_loop3A_146 to %parallel_loop3A_147 step %parallel_loop3A_148  : i32 {
        %parallel_loop3A_328 = arith.constant 1 : i32
        %parallel_loop3A_329 = arith.index_cast %parallel_loop3A_328 : i32 to index
        %parallel_loop3A_330 = arith.index_cast %parallel_loop3A_327 : i32 to index
        %parallel_loop3A_331 = arith.constant 0 : index
        %parallel_loop3A_332 = tpu.vector_load %arg6[%parallel_loop3A_329, %parallel_loop3A_330, %parallel_loop3A_331] {strides = array<i32>} : memref<5x128x128xf32, #tpu.memory_space<vmem>>, vector<1x1x16xf32>,
        %parallel_loop3A_333 = vector.shape_cast %parallel_loop3A_332 : vector<1x1x16xf32> to vector<16xf32>
        %parallel_loop3A_334 = arith.constant 11.3137083 : f32
        %parallel_loop3A_335 = vector.broadcast %parallel_loop3A_334 : f32 to vector<16xf32>
        %parallel_loop3A_336 = arith.mulf %parallel_loop3A_333, %parallel_loop3A_335 : vector<16xf32>
        %parallel_loop3A_337 = arith.constant 1 : i32
        %parallel_loop3A_338 = arith.index_cast %parallel_loop3A_337 : i32 to index
        %parallel_loop3A_339 = arith.index_cast %parallel_loop3A_327 : i32 to index
        %parallel_loop3A_340 = arith.constant 0 : index
        %parallel_loop3A_341 = tpu.vector_load %arg6[%parallel_loop3A_338, %parallel_loop3A_339, %parallel_loop3A_340] {strides = array<i32>} : memref<5x128x128xf32, #tpu.memory_space<vmem>>, vector<1x1x16xf32>,
        %parallel_loop3A_342 = vector.shape_cast %parallel_loop3A_341 : vector<1x1x16xf32> to vector<16xf32>
        %parallel_loop3A_343 = vector.shape_cast %parallel_loop3A_336 : vector<16xf32> to vector<1x1x16xf32>
        tpu.vector_store %arg6[%parallel_loop3A_338, %parallel_loop3A_339, %parallel_loop3A_340], %parallel_loop3A_343 {strides = array<i32>} : memref<5x128x128xf32, #tpu.memory_space<vmem>>, vector<1x1x16xf32>,
        %parallel_loop3A_344 = arith.constant 1 : i32
        %parallel_loop3A_345 = arith.index_cast %parallel_loop3A_344 : i32 to index
        %parallel_loop3A_346 = arith.index_cast %parallel_loop3A_327 : i32 to index
        %parallel_loop3A_347 = arith.constant 16 : index
        %parallel_loop3A_348 = tpu.vector_load %arg6[%parallel_loop3A_345, %parallel_loop3A_346, %parallel_loop3A_347] {strides = array<i32>} : memref<5x128x128xf32, #tpu.memory_space<vmem>>, vector<1x1x16xf32>,
        %parallel_loop3A_349 = vector.shape_cast %parallel_loop3A_348 : vector<1x1x16xf32> to vector<16xf32>
        %parallel_loop3A_350 = arith.constant 11.3137083 : f32
        %parallel_loop3A_351 = vector.broadcast %parallel_loop3A_350 : f32 to vector<16xf32>
        %parallel_loop3A_352 = arith.mulf %parallel_loop3A_349, %parallel_loop3A_351 : vector<16xf32>
        %parallel_loop3A_353 = arith.constant 1 : i32
        %parallel_loop3A_354 = arith.index_cast %parallel_loop3A_353 : i32 to index
        %parallel_loop3A_355 = arith.index_cast %parallel_loop3A_327 : i32 to index
        %parallel_loop3A_356 = arith.constant 16 : index
        %parallel_loop3A_357 = tpu.vector_load %arg6[%parallel_loop3A_354, %parallel_loop3A_355, %parallel_loop3A_356] {strides = array<i32>} : memref<5x128x128xf32, #tpu.memory_space<vmem>>, vector<1x1x16xf32>,
        %parallel_loop3A_358 = vector.shape_cast %parallel_loop3A_357 : vector<1x1x16xf32> to vector<16xf32>
        %parallel_loop3A_359 = vector.shape_cast %parallel_loop3A_352 : vector<16xf32> to vector<1x1x16xf32>
        tpu.vector_store %arg6[%parallel_loop3A_354, %parallel_loop3A_355, %parallel_loop3A_356], %parallel_loop3A_359 {strides = array<i32>} : memref<5x128x128xf32, #tpu.memory_space<vmem>>, vector<1x1x16xf32>,
        %parallel_loop3A_360 = arith.constant 1 : i32
        %parallel_loop3A_361 = arith.index_cast %parallel_loop3A_360 : i32 to index
        %parallel_loop3A_362 = arith.index_cast %parallel_loop3A_327 : i32 to index
        %parallel_loop3A_363 = arith.constant 32 : index
        %parallel_loop3A_364 = tpu.vector_load %arg6[%parallel_loop3A_361, %parallel_loop3A_362, %parallel_loop3A_363] {strides = array<i32>} : memref<5x128x128xf32, #tpu.memory_space<vmem>>, vector<1x1x16xf32>,
        %parallel_loop3A_365 = vector.shape_cast %parallel_loop3A_364 : vector<1x1x16xf32> to vector<16xf32>
        %parallel_loop3A_366 = arith.constant 11.3137083 : f32
        %parallel_loop3A_367 = vector.broadcast %parallel_loop3A_366 : f32 to vector<16xf32>
        %parallel_loop3A_368 = arith.mulf %parallel_loop3A_365, %parallel_loop3A_367 : vector<16xf32>
        %parallel_loop3A_369 = arith.constant 1 : i32
        %parallel_loop3A_370 = arith.index_cast %parallel_loop3A_369 : i32 to index
        %parallel_loop3A_371 = arith.index_cast %parallel_loop3A_327 : i32 to index
        %parallel_loop3A_372 = arith.constant 32 : index
        %parallel_loop3A_373 = tpu.vector_load %arg6[%parallel_loop3A_370, %parallel_loop3A_371, %parallel_loop3A_372] {strides = array<i32>} : memref<5x128x128xf32, #tpu.memory_space<vmem>>, vector<1x1x16xf32>,
        %parallel_loop3A_374 = vector.shape_cast %parallel_loop3A_373 : vector<1x1x16xf32> to vector<16xf32>
        %parallel_loop3A_375 = vector.shape_cast %parallel_loop3A_368 : vector<16xf32> to vector<1x1x16xf32>
        tpu.vector_store %arg6[%parallel_loop3A_370, %parallel_loop3A_371, %parallel_loop3A_372], %parallel_loop3A_375 {strides = array<i32>} : memref<5x128x128xf32, #tpu.memory_space<vmem>>, vector<1x1x16xf32>,
        %parallel_loop3A_376 = arith.constant 1 : i32
        %parallel_loop3A_377 = arith.index_cast %parallel_loop3A_376 : i32 to index
        %parallel_loop3A_378 = arith.index_cast %parallel_loop3A_327 : i32 to index
        %parallel_loop3A_379 = arith.constant 48 : index
        %parallel_loop3A_380 = tpu.vector_load %arg6[%parallel_loop3A_377, %parallel_loop3A_378, %parallel_loop3A_379] {strides = array<i32>} : memref<5x128x128xf32, #tpu.memory_space<vmem>>, vector<1x1x16xf32>,
        %parallel_loop3A_381 = vector.shape_cast %parallel_loop3A_380 : vector<1x1x16xf32> to vector<16xf32>
        %parallel_loop3A_382 = arith.constant 11.3137083 : f32
        %parallel_loop3A_383 = vector.broadcast %parallel_loop3A_382 : f32 to vector<16xf32>
        %parallel_loop3A_384 = arith.mulf %parallel_loop3A_381, %parallel_loop3A_383 : vector<16xf32>
        %parallel_loop3A_385 = arith.constant 1 : i32
        %parallel_loop3A_386 = arith.index_cast %parallel_loop3A_385 : i32 to index
        %parallel_loop3A_387 = arith.index_cast %parallel_loop3A_327 : i32 to index
        %parallel_loop3A_388 = arith.constant 48 : index
        %parallel_loop3A_389 = tpu.vector_load %arg6[%parallel_loop3A_386, %parallel_loop3A_387, %parallel_loop3A_388] {strides = array<i32>} : memref<5x128x128xf32, #tpu.memory_space<vmem>>, vector<1x1x16xf32>,
        %parallel_loop3A_390 = vector.shape_cast %parallel_loop3A_389 : vector<1x1x16xf32> to vector<16xf32>
        %parallel_loop3A_391 = vector.shape_cast %parallel_loop3A_384 : vector<16xf32> to vector<1x1x16xf32>
        tpu.vector_store %arg6[%parallel_loop3A_386, %parallel_loop3A_387, %parallel_loop3A_388], %parallel_loop3A_391 {strides = array<i32>} : memref<5x128x128xf32, #tpu.memory_space<vmem>>, vector<1x1x16xf32>,
        %parallel_loop3A_392 = arith.constant 1 : i32
        %parallel_loop3A_393 = arith.index_cast %parallel_loop3A_392 : i32 to index
        %parallel_loop3A_394 = arith.index_cast %parallel_loop3A_327 : i32 to index
        %parallel_loop3A_395 = arith.constant 64 : index
        %parallel_loop3A_396 = tpu.vector_load %arg6[%parallel_loop3A_393, %parallel_loop3A_394, %parallel_loop3A_395] {strides = array<i32>} : memref<5x128x128xf32, #tpu.memory_space<vmem>>, vector<1x1x16xf32>,
        %parallel_loop3A_397 = vector.shape_cast %parallel_loop3A_396 : vector<1x1x16xf32> to vector<16xf32>
        %parallel_loop3A_398 = arith.constant 11.3137083 : f32
        %parallel_loop3A_399 = vector.broadcast %parallel_loop3A_398 : f32 to vector<16xf32>
        %parallel_loop3A_400 = arith.mulf %parallel_loop3A_397, %parallel_loop3A_399 : vector<16xf32>
        %parallel_loop3A_401 = arith.constant 1 : i32
        %parallel_loop3A_402 = arith.index_cast %parallel_loop3A_401 : i32 to index
        %parallel_loop3A_403 = arith.index_cast %parallel_loop3A_327 : i32 to index
        %parallel_loop3A_404 = arith.constant 64 : index
        %parallel_loop3A_405 = tpu.vector_load %arg6[%parallel_loop3A_402, %parallel_loop3A_403, %parallel_loop3A_404] {strides = array<i32>} : memref<5x128x128xf32, #tpu.memory_space<vmem>>, vector<1x1x16xf32>,
        %parallel_loop3A_406 = vector.shape_cast %parallel_loop3A_405 : vector<1x1x16xf32> to vector<16xf32>
        %parallel_loop3A_407 = vector.shape_cast %parallel_loop3A_400 : vector<16xf32> to vector<1x1x16xf32>
        tpu.vector_store %arg6[%parallel_loop3A_402, %parallel_loop3A_403, %parallel_loop3A_404], %parallel_loop3A_407 {strides = array<i32>} : memref<5x128x128xf32, #tpu.memory_space<vmem>>, vector<1x1x16xf32>,
        %parallel_loop3A_408 = arith.constant 1 : i32
        %parallel_loop3A_409 = arith.index_cast %parallel_loop3A_408 : i32 to index
        %parallel_loop3A_410 = arith.index_cast %parallel_loop3A_327 : i32 to index
        %parallel_loop3A_411 = arith.constant 80 : index
        %parallel_loop3A_412 = tpu.vector_load %arg6[%parallel_loop3A_409, %parallel_loop3A_410, %parallel_loop3A_411] {strides = array<i32>} : memref<5x128x128xf32, #tpu.memory_space<vmem>>, vector<1x1x16xf32>,
        %parallel_loop3A_413 = vector.shape_cast %parallel_loop3A_412 : vector<1x1x16xf32> to vector<16xf32>
        %parallel_loop3A_414 = arith.constant 11.3137083 : f32
        %parallel_loop3A_415 = vector.broadcast %parallel_loop3A_414 : f32 to vector<16xf32>
        %parallel_loop3A_416 = arith.mulf %parallel_loop3A_413, %parallel_loop3A_415 : vector<16xf32>
        %parallel_loop3A_417 = arith.constant 1 : i32
        %parallel_loop3A_418 = arith.index_cast %parallel_loop3A_417 : i32 to index
        %parallel_loop3A_419 = arith.index_cast %parallel_loop3A_327 : i32 to index
        %parallel_loop3A_420 = arith.constant 80 : index
        %parallel_loop3A_421 = tpu.vector_load %arg6[%parallel_loop3A_418, %parallel_loop3A_419, %parallel_loop3A_420] {strides = array<i32>} : memref<5x128x128xf32, #tpu.memory_space<vmem>>, vector<1x1x16xf32>,
        %parallel_loop3A_422 = vector.shape_cast %parallel_loop3A_421 : vector<1x1x16xf32> to vector<16xf32>
        %parallel_loop3A_423 = vector.shape_cast %parallel_loop3A_416 : vector<16xf32> to vector<1x1x16xf32>
        tpu.vector_store %arg6[%parallel_loop3A_418, %parallel_loop3A_419, %parallel_loop3A_420], %parallel_loop3A_423 {strides = array<i32>} : memref<5x128x128xf32, #tpu.memory_space<vmem>>, vector<1x1x16xf32>,
        %parallel_loop3A_424 = arith.constant 1 : i32
        %parallel_loop3A_425 = arith.index_cast %parallel_loop3A_424 : i32 to index
        %parallel_loop3A_426 = arith.index_cast %parallel_loop3A_327 : i32 to index
        %parallel_loop3A_427 = arith.constant 96 : index
        %parallel_loop3A_428 = tpu.vector_load %arg6[%parallel_loop3A_425, %parallel_loop3A_426, %parallel_loop3A_427] {strides = array<i32>} : memref<5x128x128xf32, #tpu.memory_space<vmem>>, vector<1x1x16xf32>,
        %parallel_loop3A_429 = vector.shape_cast %parallel_loop3A_428 : vector<1x1x16xf32> to vector<16xf32>
        %parallel_loop3A_430 = arith.constant 11.3137083 : f32
        %parallel_loop3A_431 = vector.broadcast %parallel_loop3A_430 : f32 to vector<16xf32>
        %parallel_loop3A_432 = arith.mulf %parallel_loop3A_429, %parallel_loop3A_431 : vector<16xf32>
        %parallel_loop3A_433 = arith.constant 1 : i32
        %parallel_loop3A_434 = arith.index_cast %parallel_loop3A_433 : i32 to index
        %parallel_loop3A_435 = arith.index_cast %parallel_loop3A_327 : i32 to index
        %parallel_loop3A_436 = arith.constant 96 : index
        %parallel_loop3A_437 = tpu.vector_load %arg6[%parallel_loop3A_434, %parallel_loop3A_435, %parallel_loop3A_436] {strides = array<i32>} : memref<5x128x128xf32, #tpu.memory_space<vmem>>, vector<1x1x16xf32>,
        %parallel_loop3A_438 = vector.shape_cast %parallel_loop3A_437 : vector<1x1x16xf32> to vector<16xf32>
        %parallel_loop3A_439 = vector.shape_cast %parallel_loop3A_432 : vector<16xf32> to vector<1x1x16xf32>
        tpu.vector_store %arg6[%parallel_loop3A_434, %parallel_loop3A_435, %parallel_loop3A_436], %parallel_loop3A_439 {strides = array<i32>} : memref<5x128x128xf32, #tpu.memory_space<vmem>>, vector<1x1x16xf32>,
        %parallel_loop3A_440 = arith.constant 1 : i32
        %parallel_loop3A_441 = arith.index_cast %parallel_loop3A_440 : i32 to index
        %parallel_loop3A_442 = arith.index_cast %parallel_loop3A_327 : i32 to index
        %parallel_loop3A_443 = arith.constant 112 : index
        %parallel_loop3A_444 = tpu.vector_load %arg6[%parallel_loop3A_441, %parallel_loop3A_442, %parallel_loop3A_443] {strides = array<i32>} : memref<5x128x128xf32, #tpu.memory_space<vmem>>, vector<1x1x16xf32>,
        %parallel_loop3A_445 = vector.shape_cast %parallel_loop3A_444 : vector<1x1x16xf32> to vector<16xf32>
        %parallel_loop3A_446 = arith.constant 11.3137083 : f32
        %parallel_loop3A_447 = vector.broadcast %parallel_loop3A_446 : f32 to vector<16xf32>
        %parallel_loop3A_448 = arith.mulf %parallel_loop3A_445, %parallel_loop3A_447 : vector<16xf32>
        %parallel_loop3A_449 = arith.constant 1 : i32
        %parallel_loop3A_450 = arith.index_cast %parallel_loop3A_449 : i32 to index
        %parallel_loop3A_451 = arith.index_cast %parallel_loop3A_327 : i32 to index
        %parallel_loop3A_452 = arith.constant 112 : index
        %parallel_loop3A_453 = tpu.vector_load %arg6[%parallel_loop3A_450, %parallel_loop3A_451, %parallel_loop3A_452] {strides = array<i32>} : memref<5x128x128xf32, #tpu.memory_space<vmem>>, vector<1x1x16xf32>,
        %parallel_loop3A_454 = vector.shape_cast %parallel_loop3A_453 : vector<1x1x16xf32> to vector<16xf32>
        %parallel_loop3A_455 = vector.shape_cast %parallel_loop3A_448 : vector<16xf32> to vector<1x1x16xf32>
        tpu.vector_store %arg6[%parallel_loop3A_450, %parallel_loop3A_451, %parallel_loop3A_452], %parallel_loop3A_455 {strides = array<i32>} : memref<5x128x128xf32, #tpu.memory_space<vmem>>, vector<1x1x16xf32>,
      } {sc.loop_unroll_factor = 2 : i64, sc.parallel_access}
      %mul3A_149 = arith.constant 128 : i32
      %mul3A_150 = arith.muli %add3A_134, %mul3A_149 : i32
      %add3A_151 = arith.addi %mul3A_2, %mul3A_150 : i32
      %dma_start3A_152 = arith.constant 1 : i32
      %dma_start3A_153 = arith.constant 0 : i32
      %dma_start3A_154 = arith.constant 0 : i32
      %dma_start3A_155 = tpu.memref_slice %arg6[%dma_start3A_152, %dma_start3A_153, %dma_start3A_154] : memref<5x128x128xf32, #tpu.memory_space<vmem>> -> memref<1x128x128xf32, #tpu.memory_space<vmem>>
      %dma_start3A_156 = tpu.memref_squeeze %dma_start3A_155 : memref<1x128x128xf32, #tpu.memory_space<vmem>> -> memref<128x128xf32, #tpu.memory_space<vmem>>
      %dma_start3A_157 = arith.constant 0 : i32
      %dma_start3A_158 = tpu.memref_slice %arg4[%add3A_151, %dma_start3A_157] : memref<819200x128xf32, #tpu.memory_space<hbm>> -> memref<128x128xf32, #tpu.memory_space<hbm>>
      %dma_start3A_159 = arith.constant 0 : i32
      %dma_start3A_160 = tpu.memref_slice %arg4[%add3A_151, %dma_start3A_159] : memref<819200x128xf32, #tpu.memory_space<hbm>> -> memref<128x128xf32, #tpu.memory_space<hbm>>
      %dma_start3A_161 = arith.constant 0 : i32
      %dma_start3A_162 = arith.constant 0 : i32
      %dma_start3A_163 = tpu.memref_slice %arg6[%dma_start3A_152, %dma_start3A_161, %dma_start3A_162] : memref<5x128x128xf32, #tpu.memory_space<vmem>> -> memref<1x128x128xf32, #tpu.memory_space<vmem>>
      %dma_start3A_164 = tpu.memref_squeeze %dma_start3A_163 : memref<1x128x128xf32, #tpu.memory_space<vmem>> -> memref<128x128xf32, #tpu.memory_space<vmem>>
      tpu.enqueue_dma source(%dma_start3A_164 : memref<128x128xf32, #tpu.memory_space<vmem>>) target(%dma_start3A_160 : memref<128x128xf32, #tpu.memory_space<hbm>>) target_semaphore(%arg13 : memref<!tpu.dma_semaphore, #tpu.memory_space<semaphore_mem>>)
      %add3A_165 = arith.constant 3 : i32
      %add3A_166 = arith.addi %add3A_134, %add3A_165 : i32
      %ge3A_167 = arith.constant 5 : i32
      %ge3A_168 = arith.cmpi sge, %add3A_166, %ge3A_167 : i32
      %lt3A_169 = arith.constant 200 : i32
      %lt3A_170 = arith.cmpi slt, %add3A_166, %lt3A_169 : i32
      %and3A_171 = arith.andi %ge3A_168, %lt3A_170 : i1
      %convert_element_type3A_172 = arith.extui %and3A_171 : i1 to i32
      %cond3A_173 = arith.constant 0 : i32
      %cond3A_174 = arith.cmpi ne, %convert_element_type3A_172, %cond3A_173 : i32
      scf.if %cond3A_174 {
        %sub3A = arith.constant 5 : i32
        %sub3A_327 = arith.subi %add3A_166, %sub3A : i32
        %mul3A_328 = arith.constant 128 : i32
        %mul3A_329 = arith.muli %sub3A_327, %mul3A_328 : i32
        %add3A_330 = arith.addi %mul3A_2, %mul3A_329 : i32
        %dma_wait3A_331 = arith.constant 4 : i32
        %dma_wait3A_332 = arith.constant 0 : i32
        %dma_wait3A_333 = arith.constant 0 : i32
        %dma_wait3A_334 = tpu.memref_slice %arg6[%dma_wait3A_331, %dma_wait3A_332, %dma_wait3A_333] : memref<5x128x128xf32, #tpu.memory_space<vmem>> -> memref<1x128x128xf32, #tpu.memory_space<vmem>>
        %dma_wait3A_335 = tpu.memref_squeeze %dma_wait3A_334 : memref<1x128x128xf32, #tpu.memory_space<vmem>> -> memref<128x128xf32, #tpu.memory_space<vmem>>
        %dma_wait3A_336 = arith.constant 0 : i32
        %dma_wait3A_337 = tpu.memref_slice %arg4[%add3A_330, %dma_wait3A_336] : memref<819200x128xf32, #tpu.memory_space<hbm>> -> memref<128x128xf32, #tpu.memory_space<hbm>>
        %dma_wait3A_338 = arith.constant 0 : i32
        %dma_wait3A_339 = tpu.memref_slice %arg4[%add3A_330, %dma_wait3A_338] : memref<819200x128xf32, #tpu.memory_space<hbm>> -> memref<128x128xf32, #tpu.memory_space<hbm>>
        %dma_wait3A_340 = arith.constant 0 : i32
        %dma_wait3A_341 = arith.constant 0 : i32
        %dma_wait3A_342 = tpu.memref_slice %arg6[%dma_wait3A_331, %dma_wait3A_340, %dma_wait3A_341] : memref<5x128x128xf32, #tpu.memory_space<vmem>> -> memref<1x128x128xf32, #tpu.memory_space<vmem>>
        %dma_wait3A_343 = tpu.memref_squeeze %dma_wait3A_342 : memref<1x128x128xf32, #tpu.memory_space<vmem>> -> memref<128x128xf32, #tpu.memory_space<vmem>>
        tpu.wait_dma2 semaphore(%arg16 : memref<!tpu.dma_semaphore, #tpu.memory_space<semaphore_mem>>) src(%dma_wait3A_343 : memref<128x128xf32, #tpu.memory_space<vmem>>) dst(%dma_wait3A_339 : memref<128x128xf32, #tpu.memory_space<hbm>>)
      } else {
      }
      %lt3A_175 = arith.constant 200 : i32
      %lt3A_176 = arith.cmpi slt, %add3A_166, %lt3A_175 : i32
      %convert_element_type3A_177 = arith.extui %lt3A_176 : i1 to i32
      %cond3A_178 = arith.constant 0 : i32
      %cond3A_179 = arith.cmpi ne, %convert_element_type3A_177, %cond3A_178 : i32
      scf.if %cond3A_179 {
        %dma_start3A_327 = arith.constant 4 : i32
        %dma_start3A_328 = arith.constant 0 : i32
        %dma_start3A_329 = arith.constant 0 : i32
        %dma_start3A_330 = tpu.memref_slice %arg6[%dma_start3A_327, %dma_start3A_328, %dma_start3A_329] : memref<5x128x128xf32, #tpu.memory_space<vmem>> -> memref<1x128x128xf32, #tpu.memory_space<vmem>>
        %dma_start3A_331 = tpu.memref_squeeze %dma_start3A_330 : memref<1x128x128xf32, #tpu.memory_space<vmem>> -> memref<128x128xf32, #tpu.memory_space<vmem>>
        %dma_start3A_332 = arith.constant 0 : i32
        %dma_start3A_333 = tpu.memref_slice %arg5[%add3A_166, %dma_start3A_332] : memref<200x128xi32, #tpu.memory_space<vmem>> -> memref<1x128xi32, #tpu.memory_space<vmem>>
        %dma_start3A_334 = tpu.memref_squeeze %dma_start3A_333 : memref<1x128xi32, #tpu.memory_space<vmem>> -> memref<128xi32, #tpu.memory_space<vmem>>
        %dma_start3A_335 = arith.constant 0 : i32
        %dma_start3A_336 = arith.constant 0 : i32
        %dma_start3A_337 = tpu.memref_slice %arg3[%dma_start3A_335, %dma_start3A_336] : memref<100000x128xf32, #tpu.memory_space<hbm>> -> memref<100000x128xf32, #tpu.memory_space<hbm>>
        tpu.enqueue_indirect_dma source(%dma_start3A_337 : memref<100000x128xf32, #tpu.memory_space<hbm>>) target(%dma_start3A_331 : memref<128x128xf32, #tpu.memory_space<vmem>>) offsets(%dma_start3A_334 : memref<128xi32, #tpu.memory_space<vmem>>) semaphore(%arg11 : memref<!tpu.dma_semaphore, #tpu.memory_space<semaphore_mem>>)
      } else {
      }
      %mul3A_180 = arith.constant 5 : i32
      %mul3A_181 = arith.muli %scan3A_87, %mul3A_180 : i32
      %add3A_182 = arith.constant 2 : i32
      %add3A_183 = arith.addi %mul3A_181, %add3A_182 : i32
      %dma_wait3A_184 = arith.constant 2 : i32
      %dma_wait3A_185 = arith.constant 0 : i32
      %dma_wait3A_186 = arith.constant 0 : i32
      %dma_wait3A_187 = tpu.memref_slice %arg6[%dma_wait3A_184, %dma_wait3A_185, %dma_wait3A_186] : memref<5x128x128xf32, #tpu.memory_space<vmem>> -> memref<1x128x128xf32, #tpu.memory_space<vmem>>
      %dma_wait3A_188 = tpu.memref_squeeze %dma_wait3A_187 : memref<1x128x128xf32, #tpu.memory_space<vmem>> -> memref<128x128xf32, #tpu.memory_space<vmem>>
      %dma_wait3A_189 = arith.constant 0 : i32
      %dma_wait3A_190 = tpu.memref_slice %arg5[%add3A_183, %dma_wait3A_189] : memref<200x128xi32, #tpu.memory_space<vmem>> -> memref<1x128xi32, #tpu.memory_space<vmem>>
      %dma_wait3A_191 = tpu.memref_squeeze %dma_wait3A_190 : memref<1x128xi32, #tpu.memory_space<vmem>> -> memref<128xi32, #tpu.memory_space<vmem>>
      %dma_wait3A_192 = arith.constant 0 : i32
      %dma_wait3A_193 = arith.constant 0 : i32
      %dma_wait3A_194 = tpu.memref_slice %arg3[%dma_wait3A_192, %dma_wait3A_193] : memref<100000x128xf32, #tpu.memory_space<hbm>> -> memref<100000x128xf32, #tpu.memory_space<hbm>>
      tpu.wait_indirect_dma semaphore(%arg9 : memref<!tpu.dma_semaphore, #tpu.memory_space<semaphore_mem>>) src(%dma_wait3A_194 : memref<100000x128xf32, #tpu.memory_space<hbm>>) dst(%dma_wait3A_188 : memref<128x128xf32, #tpu.memory_space<vmem>>)
      %parallel_loop3A_195 = arith.constant 0 : i32
      %parallel_loop3A_196 = arith.constant 128 : i32
      %parallel_loop3A_197 = arith.constant 1 : i32
      scf.for %parallel_loop3A_327 = %parallel_loop3A_195 to %parallel_loop3A_196 step %parallel_loop3A_197  : i32 {
        %parallel_loop3A_328 = arith.constant 2 : i32
        %parallel_loop3A_329 = arith.index_cast %parallel_loop3A_328 : i32 to index
        %parallel_loop3A_330 = arith.index_cast %parallel_loop3A_327 : i32 to index
        %parallel_loop3A_331 = arith.constant 0 : index
        %parallel_loop3A_332 = tpu.vector_load %arg6[%parallel_loop3A_329, %parallel_loop3A_330, %parallel_loop3A_331] {strides = array<i32>} : memref<5x128x128xf32, #tpu.memory_space<vmem>>, vector<1x1x16xf32>,
        %parallel_loop3A_333 = vector.shape_cast %parallel_loop3A_332 : vector<1x1x16xf32> to vector<16xf32>
        %parallel_loop3A_334 = arith.constant 11.3137083 : f32
        %parallel_loop3A_335 = vector.broadcast %parallel_loop3A_334 : f32 to vector<16xf32>
        %parallel_loop3A_336 = arith.mulf %parallel_loop3A_333, %parallel_loop3A_335 : vector<16xf32>
        %parallel_loop3A_337 = arith.constant 2 : i32
        %parallel_loop3A_338 = arith.index_cast %parallel_loop3A_337 : i32 to index
        %parallel_loop3A_339 = arith.index_cast %parallel_loop3A_327 : i32 to index
        %parallel_loop3A_340 = arith.constant 0 : index
        %parallel_loop3A_341 = tpu.vector_load %arg6[%parallel_loop3A_338, %parallel_loop3A_339, %parallel_loop3A_340] {strides = array<i32>} : memref<5x128x128xf32, #tpu.memory_space<vmem>>, vector<1x1x16xf32>,
        %parallel_loop3A_342 = vector.shape_cast %parallel_loop3A_341 : vector<1x1x16xf32> to vector<16xf32>
        %parallel_loop3A_343 = vector.shape_cast %parallel_loop3A_336 : vector<16xf32> to vector<1x1x16xf32>
        tpu.vector_store %arg6[%parallel_loop3A_338, %parallel_loop3A_339, %parallel_loop3A_340], %parallel_loop3A_343 {strides = array<i32>} : memref<5x128x128xf32, #tpu.memory_space<vmem>>, vector<1x1x16xf32>,
        %parallel_loop3A_344 = arith.constant 2 : i32
        %parallel_loop3A_345 = arith.index_cast %parallel_loop3A_344 : i32 to index
        %parallel_loop3A_346 = arith.index_cast %parallel_loop3A_327 : i32 to index
        %parallel_loop3A_347 = arith.constant 16 : index
        %parallel_loop3A_348 = tpu.vector_load %arg6[%parallel_loop3A_345, %parallel_loop3A_346, %parallel_loop3A_347] {strides = array<i32>} : memref<5x128x128xf32, #tpu.memory_space<vmem>>, vector<1x1x16xf32>,
        %parallel_loop3A_349 = vector.shape_cast %parallel_loop3A_348 : vector<1x1x16xf32> to vector<16xf32>
        %parallel_loop3A_350 = arith.constant 11.3137083 : f32
        %parallel_loop3A_351 = vector.broadcast %parallel_loop3A_350 : f32 to vector<16xf32>
        %parallel_loop3A_352 = arith.mulf %parallel_loop3A_349, %parallel_loop3A_351 : vector<16xf32>
        %parallel_loop3A_353 = arith.constant 2 : i32
        %parallel_loop3A_354 = arith.index_cast %parallel_loop3A_353 : i32 to index
        %parallel_loop3A_355 = arith.index_cast %parallel_loop3A_327 : i32 to index
        %parallel_loop3A_356 = arith.constant 16 : index
        %parallel_loop3A_357 = tpu.vector_load %arg6[%parallel_loop3A_354, %parallel_loop3A_355, %parallel_loop3A_356] {strides = array<i32>} : memref<5x128x128xf32, #tpu.memory_space<vmem>>, vector<1x1x16xf32>,
        %parallel_loop3A_358 = vector.shape_cast %parallel_loop3A_357 : vector<1x1x16xf32> to vector<16xf32>
        %parallel_loop3A_359 = vector.shape_cast %parallel_loop3A_352 : vector<16xf32> to vector<1x1x16xf32>
        tpu.vector_store %arg6[%parallel_loop3A_354, %parallel_loop3A_355, %parallel_loop3A_356], %parallel_loop3A_359 {strides = array<i32>} : memref<5x128x128xf32, #tpu.memory_space<vmem>>, vector<1x1x16xf32>,
        %parallel_loop3A_360 = arith.constant 2 : i32
        %parallel_loop3A_361 = arith.index_cast %parallel_loop3A_360 : i32 to index
        %parallel_loop3A_362 = arith.index_cast %parallel_loop3A_327 : i32 to index
        %parallel_loop3A_363 = arith.constant 32 : index
        %parallel_loop3A_364 = tpu.vector_load %arg6[%parallel_loop3A_361, %parallel_loop3A_362, %parallel_loop3A_363] {strides = array<i32>} : memref<5x128x128xf32, #tpu.memory_space<vmem>>, vector<1x1x16xf32>,
        %parallel_loop3A_365 = vector.shape_cast %parallel_loop3A_364 : vector<1x1x16xf32> to vector<16xf32>
        %parallel_loop3A_366 = arith.constant 11.3137083 : f32
        %parallel_loop3A_367 = vector.broadcast %parallel_loop3A_366 : f32 to vector<16xf32>
        %parallel_loop3A_368 = arith.mulf %parallel_loop3A_365, %parallel_loop3A_367 : vector<16xf32>
        %parallel_loop3A_369 = arith.constant 2 : i32
        %parallel_loop3A_370 = arith.index_cast %parallel_loop3A_369 : i32 to index
        %parallel_loop3A_371 = arith.index_cast %parallel_loop3A_327 : i32 to index
        %parallel_loop3A_372 = arith.constant 32 : index
        %parallel_loop3A_373 = tpu.vector_load %arg6[%parallel_loop3A_370, %parallel_loop3A_371, %parallel_loop3A_372] {strides = array<i32>} : memref<5x128x128xf32, #tpu.memory_space<vmem>>, vector<1x1x16xf32>,
        %parallel_loop3A_374 = vector.shape_cast %parallel_loop3A_373 : vector<1x1x16xf32> to vector<16xf32>
        %parallel_loop3A_375 = vector.shape_cast %parallel_loop3A_368 : vector<16xf32> to vector<1x1x16xf32>
        tpu.vector_store %arg6[%parallel_loop3A_370, %parallel_loop3A_371, %parallel_loop3A_372], %parallel_loop3A_375 {strides = array<i32>} : memref<5x128x128xf32, #tpu.memory_space<vmem>>, vector<1x1x16xf32>,
        %parallel_loop3A_376 = arith.constant 2 : i32
        %parallel_loop3A_377 = arith.index_cast %parallel_loop3A_376 : i32 to index
        %parallel_loop3A_378 = arith.index_cast %parallel_loop3A_327 : i32 to index
        %parallel_loop3A_379 = arith.constant 48 : index
        %parallel_loop3A_380 = tpu.vector_load %arg6[%parallel_loop3A_377, %parallel_loop3A_378, %parallel_loop3A_379] {strides = array<i32>} : memref<5x128x128xf32, #tpu.memory_space<vmem>>, vector<1x1x16xf32>,
        %parallel_loop3A_381 = vector.shape_cast %parallel_loop3A_380 : vector<1x1x16xf32> to vector<16xf32>
        %parallel_loop3A_382 = arith.constant 11.3137083 : f32
        %parallel_loop3A_383 = vector.broadcast %parallel_loop3A_382 : f32 to vector<16xf32>
        %parallel_loop3A_384 = arith.mulf %parallel_loop3A_381, %parallel_loop3A_383 : vector<16xf32>
        %parallel_loop3A_385 = arith.constant 2 : i32
        %parallel_loop3A_386 = arith.index_cast %parallel_loop3A_385 : i32 to index
        %parallel_loop3A_387 = arith.index_cast %parallel_loop3A_327 : i32 to index
        %parallel_loop3A_388 = arith.constant 48 : index
        %parallel_loop3A_389 = tpu.vector_load %arg6[%parallel_loop3A_386, %parallel_loop3A_387, %parallel_loop3A_388] {strides = array<i32>} : memref<5x128x128xf32, #tpu.memory_space<vmem>>, vector<1x1x16xf32>,
        %parallel_loop3A_390 = vector.shape_cast %parallel_loop3A_389 : vector<1x1x16xf32> to vector<16xf32>
        %parallel_loop3A_391 = vector.shape_cast %parallel_loop3A_384 : vector<16xf32> to vector<1x1x16xf32>
        tpu.vector_store %arg6[%parallel_loop3A_386, %parallel_loop3A_387, %parallel_loop3A_388], %parallel_loop3A_391 {strides = array<i32>} : memref<5x128x128xf32, #tpu.memory_space<vmem>>, vector<1x1x16xf32>,
        %parallel_loop3A_392 = arith.constant 2 : i32
        %parallel_loop3A_393 = arith.index_cast %parallel_loop3A_392 : i32 to index
        %parallel_loop3A_394 = arith.index_cast %parallel_loop3A_327 : i32 to index
        %parallel_loop3A_395 = arith.constant 64 : index
        %parallel_loop3A_396 = tpu.vector_load %arg6[%parallel_loop3A_393, %parallel_loop3A_394, %parallel_loop3A_395] {strides = array<i32>} : memref<5x128x128xf32, #tpu.memory_space<vmem>>, vector<1x1x16xf32>,
        %parallel_loop3A_397 = vector.shape_cast %parallel_loop3A_396 : vector<1x1x16xf32> to vector<16xf32>
        %parallel_loop3A_398 = arith.constant 11.3137083 : f32
        %parallel_loop3A_399 = vector.broadcast %parallel_loop3A_398 : f32 to vector<16xf32>
        %parallel_loop3A_400 = arith.mulf %parallel_loop3A_397, %parallel_loop3A_399 : vector<16xf32>
        %parallel_loop3A_401 = arith.constant 2 : i32
        %parallel_loop3A_402 = arith.index_cast %parallel_loop3A_401 : i32 to index
        %parallel_loop3A_403 = arith.index_cast %parallel_loop3A_327 : i32 to index
        %parallel_loop3A_404 = arith.constant 64 : index
        %parallel_loop3A_405 = tpu.vector_load %arg6[%parallel_loop3A_402, %parallel_loop3A_403, %parallel_loop3A_404] {strides = array<i32>} : memref<5x128x128xf32, #tpu.memory_space<vmem>>, vector<1x1x16xf32>,
        %parallel_loop3A_406 = vector.shape_cast %parallel_loop3A_405 : vector<1x1x16xf32> to vector<16xf32>
        %parallel_loop3A_407 = vector.shape_cast %parallel_loop3A_400 : vector<16xf32> to vector<1x1x16xf32>
        tpu.vector_store %arg6[%parallel_loop3A_402, %parallel_loop3A_403, %parallel_loop3A_404], %parallel_loop3A_407 {strides = array<i32>} : memref<5x128x128xf32, #tpu.memory_space<vmem>>, vector<1x1x16xf32>,
        %parallel_loop3A_408 = arith.constant 2 : i32
        %parallel_loop3A_409 = arith.index_cast %parallel_loop3A_408 : i32 to index
        %parallel_loop3A_410 = arith.index_cast %parallel_loop3A_327 : i32 to index
        %parallel_loop3A_411 = arith.constant 80 : index
        %parallel_loop3A_412 = tpu.vector_load %arg6[%parallel_loop3A_409, %parallel_loop3A_410, %parallel_loop3A_411] {strides = array<i32>} : memref<5x128x128xf32, #tpu.memory_space<vmem>>, vector<1x1x16xf32>,
        %parallel_loop3A_413 = vector.shape_cast %parallel_loop3A_412 : vector<1x1x16xf32> to vector<16xf32>
        %parallel_loop3A_414 = arith.constant 11.3137083 : f32
        %parallel_loop3A_415 = vector.broadcast %parallel_loop3A_414 : f32 to vector<16xf32>
        %parallel_loop3A_416 = arith.mulf %parallel_loop3A_413, %parallel_loop3A_415 : vector<16xf32>
        %parallel_loop3A_417 = arith.constant 2 : i32
        %parallel_loop3A_418 = arith.index_cast %parallel_loop3A_417 : i32 to index
        %parallel_loop3A_419 = arith.index_cast %parallel_loop3A_327 : i32 to index
        %parallel_loop3A_420 = arith.constant 80 : index
        %parallel_loop3A_421 = tpu.vector_load %arg6[%parallel_loop3A_418, %parallel_loop3A_419, %parallel_loop3A_420] {strides = array<i32>} : memref<5x128x128xf32, #tpu.memory_space<vmem>>, vector<1x1x16xf32>,
        %parallel_loop3A_422 = vector.shape_cast %parallel_loop3A_421 : vector<1x1x16xf32> to vector<16xf32>
        %parallel_loop3A_423 = vector.shape_cast %parallel_loop3A_416 : vector<16xf32> to vector<1x1x16xf32>
        tpu.vector_store %arg6[%parallel_loop3A_418, %parallel_loop3A_419, %parallel_loop3A_420], %parallel_loop3A_423 {strides = array<i32>} : memref<5x128x128xf32, #tpu.memory_space<vmem>>, vector<1x1x16xf32>,
        %parallel_loop3A_424 = arith.constant 2 : i32
        %parallel_loop3A_425 = arith.index_cast %parallel_loop3A_424 : i32 to index
        %parallel_loop3A_426 = arith.index_cast %parallel_loop3A_327 : i32 to index
        %parallel_loop3A_427 = arith.constant 96 : index
        %parallel_loop3A_428 = tpu.vector_load %arg6[%parallel_loop3A_425, %parallel_loop3A_426, %parallel_loop3A_427] {strides = array<i32>} : memref<5x128x128xf32, #tpu.memory_space<vmem>>, vector<1x1x16xf32>,
        %parallel_loop3A_429 = vector.shape_cast %parallel_loop3A_428 : vector<1x1x16xf32> to vector<16xf32>
        %parallel_loop3A_430 = arith.constant 11.3137083 : f32
        %parallel_loop3A_431 = vector.broadcast %parallel_loop3A_430 : f32 to vector<16xf32>
        %parallel_loop3A_432 = arith.mulf %parallel_loop3A_429, %parallel_loop3A_431 : vector<16xf32>
        %parallel_loop3A_433 = arith.constant 2 : i32
        %parallel_loop3A_434 = arith.index_cast %parallel_loop3A_433 : i32 to index
        %parallel_loop3A_435 = arith.index_cast %parallel_loop3A_327 : i32 to index
        %parallel_loop3A_436 = arith.constant 96 : index
        %parallel_loop3A_437 = tpu.vector_load %arg6[%parallel_loop3A_434, %parallel_loop3A_435, %parallel_loop3A_436] {strides = array<i32>} : memref<5x128x128xf32, #tpu.memory_space<vmem>>, vector<1x1x16xf32>,
        %parallel_loop3A_438 = vector.shape_cast %parallel_loop3A_437 : vector<1x1x16xf32> to vector<16xf32>
        %parallel_loop3A_439 = vector.shape_cast %parallel_loop3A_432 : vector<16xf32> to vector<1x1x16xf32>
        tpu.vector_store %arg6[%parallel_loop3A_434, %parallel_loop3A_435, %parallel_loop3A_436], %parallel_loop3A_439 {strides = array<i32>} : memref<5x128x128xf32, #tpu.memory_space<vmem>>, vector<1x1x16xf32>,
        %parallel_loop3A_440 = arith.constant 2 : i32
        %parallel_loop3A_441 = arith.index_cast %parallel_loop3A_440 : i32 to index
        %parallel_loop3A_442 = arith.index_cast %parallel_loop3A_327 : i32 to index
        %parallel_loop3A_443 = arith.constant 112 : index
        %parallel_loop3A_444 = tpu.vector_load %arg6[%parallel_loop3A_441, %parallel_loop3A_442, %parallel_loop3A_443] {strides = array<i32>} : memref<5x128x128xf32, #tpu.memory_space<vmem>>, vector<1x1x16xf32>,
        %parallel_loop3A_445 = vector.shape_cast %parallel_loop3A_444 : vector<1x1x16xf32> to vector<16xf32>
        %parallel_loop3A_446 = arith.constant 11.3137083 : f32
        %parallel_loop3A_447 = vector.broadcast %parallel_loop3A_446 : f32 to vector<16xf32>
        %parallel_loop3A_448 = arith.mulf %parallel_loop3A_445, %parallel_loop3A_447 : vector<16xf32>
        %parallel_loop3A_449 = arith.constant 2 : i32
        %parallel_loop3A_450 = arith.index_cast %parallel_loop3A_449 : i32 to index
        %parallel_loop3A_451 = arith.index_cast %parallel_loop3A_327 : i32 to index
        %parallel_loop3A_452 = arith.constant 112 : index
        %parallel_loop3A_453 = tpu.vector_load %arg6[%parallel_loop3A_450, %parallel_loop3A_451, %parallel_loop3A_452] {strides = array<i32>} : memref<5x128x128xf32, #tpu.memory_space<vmem>>, vector<1x1x16xf32>,
        %parallel_loop3A_454 = vector.shape_cast %parallel_loop3A_453 : vector<1x1x16xf32> to vector<16xf32>
        %parallel_loop3A_455 = vector.shape_cast %parallel_loop3A_448 : vector<16xf32> to vector<1x1x16xf32>
        tpu.vector_store %arg6[%parallel_loop3A_450, %parallel_loop3A_451, %parallel_loop3A_452], %parallel_loop3A_455 {strides = array<i32>} : memref<5x128x128xf32, #tpu.memory_space<vmem>>, vector<1x1x16xf32>,
      } {sc.loop_unroll_factor = 2 : i64, sc.parallel_access}
      %mul3A_198 = arith.constant 128 : i32
      %mul3A_199 = arith.muli %add3A_183, %mul3A_198 : i32
      %add3A_200 = arith.addi %mul3A_2, %mul3A_199 : i32
      %dma_start3A_201 = arith.constant 2 : i32
      %dma_start3A_202 = arith.constant 0 : i32
      %dma_start3A_203 = arith.constant 0 : i32
      %dma_start3A_204 = tpu.memref_slice %arg6[%dma_start3A_201, %dma_start3A_202, %dma_start3A_203] : memref<5x128x128xf32, #tpu.memory_space<vmem>> -> memref<1x128x128xf32, #tpu.memory_space<vmem>>
      %dma_start3A_205 = tpu.memref_squeeze %dma_start3A_204 : memref<1x128x128xf32, #tpu.memory_space<vmem>> -> memref<128x128xf32, #tpu.memory_space<vmem>>
      %dma_start3A_206 = arith.constant 0 : i32
      %dma_start3A_207 = tpu.memref_slice %arg4[%add3A_200, %dma_start3A_206] : memref<819200x128xf32, #tpu.memory_space<hbm>> -> memref<128x128xf32, #tpu.memory_space<hbm>>
      %dma_start3A_208 = arith.constant 0 : i32
      %dma_start3A_209 = tpu.memref_slice %arg4[%add3A_200, %dma_start3A_208] : memref<819200x128xf32, #tpu.memory_space<hbm>> -> memref<128x128xf32, #tpu.memory_space<hbm>>
      %dma_start3A_210 = arith.constant 0 : i32
      %dma_start3A_211 = arith.constant 0 : i32
      %dma_start3A_212 = tpu.memref_slice %arg6[%dma_start3A_201, %dma_start3A_210, %dma_start3A_211] : memref<5x128x128xf32, #tpu.memory_space<vmem>> -> memref<1x128x128xf32, #tpu.memory_space<vmem>>
      %dma_start3A_213 = tpu.memref_squeeze %dma_start3A_212 : memref<1x128x128xf32, #tpu.memory_space<vmem>> -> memref<128x128xf32, #tpu.memory_space<vmem>>
      tpu.enqueue_dma source(%dma_start3A_213 : memref<128x128xf32, #tpu.memory_space<vmem>>) target(%dma_start3A_209 : memref<128x128xf32, #tpu.memory_space<hbm>>) target_semaphore(%arg14 : memref<!tpu.dma_semaphore, #tpu.memory_space<semaphore_mem>>)
      %add3A_214 = arith.constant 3 : i32
      %add3A_215 = arith.addi %add3A_183, %add3A_214 : i32
      %ge3A_216 = arith.constant 5 : i32
      %ge3A_217 = arith.cmpi sge, %add3A_215, %ge3A_216 : i32
      %lt3A_218 = arith.constant 200 : i32
      %lt3A_219 = arith.cmpi slt, %add3A_215, %lt3A_218 : i32
      %and3A_220 = arith.andi %ge3A_217, %lt3A_219 : i1
      %convert_element_type3A_221 = arith.extui %and3A_220 : i1 to i32
      %cond3A_222 = arith.constant 0 : i32
      %cond3A_223 = arith.cmpi ne, %convert_element_type3A_221, %cond3A_222 : i32
      scf.if %cond3A_223 {
        %sub3A = arith.constant 5 : i32
        %sub3A_327 = arith.subi %add3A_215, %sub3A : i32
        %mul3A_328 = arith.constant 128 : i32
        %mul3A_329 = arith.muli %sub3A_327, %mul3A_328 : i32
        %add3A_330 = arith.addi %mul3A_2, %mul3A_329 : i32
        %dma_wait3A_331 = arith.constant 0 : i32
        %dma_wait3A_332 = arith.constant 0 : i32
        %dma_wait3A_333 = arith.constant 0 : i32
        %dma_wait3A_334 = tpu.memref_slice %arg6[%dma_wait3A_331, %dma_wait3A_332, %dma_wait3A_333] : memref<5x128x128xf32, #tpu.memory_space<vmem>> -> memref<1x128x128xf32, #tpu.memory_space<vmem>>
        %dma_wait3A_335 = tpu.memref_squeeze %dma_wait3A_334 : memref<1x128x128xf32, #tpu.memory_space<vmem>> -> memref<128x128xf32, #tpu.memory_space<vmem>>
        %dma_wait3A_336 = arith.constant 0 : i32
        %dma_wait3A_337 = tpu.memref_slice %arg4[%add3A_330, %dma_wait3A_336] : memref<819200x128xf32, #tpu.memory_space<hbm>> -> memref<128x128xf32, #tpu.memory_space<hbm>>
        %dma_wait3A_338 = arith.constant 0 : i32
        %dma_wait3A_339 = tpu.memref_slice %arg4[%add3A_330, %dma_wait3A_338] : memref<819200x128xf32, #tpu.memory_space<hbm>> -> memref<128x128xf32, #tpu.memory_space<hbm>>
        %dma_wait3A_340 = arith.constant 0 : i32
        %dma_wait3A_341 = arith.constant 0 : i32
        %dma_wait3A_342 = tpu.memref_slice %arg6[%dma_wait3A_331, %dma_wait3A_340, %dma_wait3A_341] : memref<5x128x128xf32, #tpu.memory_space<vmem>> -> memref<1x128x128xf32, #tpu.memory_space<vmem>>
        %dma_wait3A_343 = tpu.memref_squeeze %dma_wait3A_342 : memref<1x128x128xf32, #tpu.memory_space<vmem>> -> memref<128x128xf32, #tpu.memory_space<vmem>>
        tpu.wait_dma2 semaphore(%arg12 : memref<!tpu.dma_semaphore, #tpu.memory_space<semaphore_mem>>) src(%dma_wait3A_343 : memref<128x128xf32, #tpu.memory_space<vmem>>) dst(%dma_wait3A_339 : memref<128x128xf32, #tpu.memory_space<hbm>>)
      } else {
      }
      %lt3A_224 = arith.constant 200 : i32
      %lt3A_225 = arith.cmpi slt, %add3A_215, %lt3A_224 : i32
      %convert_element_type3A_226 = arith.extui %lt3A_225 : i1 to i32
      %cond3A_227 = arith.constant 0 : i32
      %cond3A_228 = arith.cmpi ne, %convert_element_type3A_226, %cond3A_227 : i32
      scf.if %cond3A_228 {
        %dma_start3A_327 = arith.constant 0 : i32
        %dma_start3A_328 = arith.constant 0 : i32
        %dma_start3A_329 = arith.constant 0 : i32
        %dma_start3A_330 = tpu.memref_slice %arg6[%dma_start3A_327, %dma_start3A_328, %dma_start3A_329] : memref<5x128x128xf32, #tpu.memory_space<vmem>> -> memref<1x128x128xf32, #tpu.memory_space<vmem>>
        %dma_start3A_331 = tpu.memref_squeeze %dma_start3A_330 : memref<1x128x128xf32, #tpu.memory_space<vmem>> -> memref<128x128xf32, #tpu.memory_space<vmem>>
        %dma_start3A_332 = arith.constant 0 : i32
        %dma_start3A_333 = tpu.memref_slice %arg5[%add3A_215, %dma_start3A_332] : memref<200x128xi32, #tpu.memory_space<vmem>> -> memref<1x128xi32, #tpu.memory_space<vmem>>
        %dma_start3A_334 = tpu.memref_squeeze %dma_start3A_333 : memref<1x128xi32, #tpu.memory_space<vmem>> -> memref<128xi32, #tpu.memory_space<vmem>>
        %dma_start3A_335 = arith.constant 0 : i32
        %dma_start3A_336 = arith.constant 0 : i32
        %dma_start3A_337 = tpu.memref_slice %arg3[%dma_start3A_335, %dma_start3A_336] : memref<100000x128xf32, #tpu.memory_space<hbm>> -> memref<100000x128xf32, #tpu.memory_space<hbm>>
        tpu.enqueue_indirect_dma source(%dma_start3A_337 : memref<100000x128xf32, #tpu.memory_space<hbm>>) target(%dma_start3A_331 : memref<128x128xf32, #tpu.memory_space<vmem>>) offsets(%dma_start3A_334 : memref<128xi32, #tpu.memory_space<vmem>>) semaphore(%arg7 : memref<!tpu.dma_semaphore, #tpu.memory_space<semaphore_mem>>)
      } else {
      }
      %mul3A_229 = arith.constant 5 : i32
      %mul3A_230 = arith.muli %scan3A_87, %mul3A_229 : i32
      %add3A_231 = arith.constant 3 : i32
      %add3A_232 = arith.addi %mul3A_230, %add3A_231 : i32
      %dma_wait3A_233 = arith.constant 3 : i32
      %dma_wait3A_234 = arith.constant 0 : i32
      %dma_wait3A_235 = arith.constant 0 : i32
      %dma_wait3A_236 = tpu.memref_slice %arg6[%dma_wait3A_233, %dma_wait3A_234, %dma_wait3A_235] : memref<5x128x128xf32, #tpu.memory_space<vmem>> -> memref<1x128x128xf32, #tpu.memory_space<vmem>>
      %dma_wait3A_237 = tpu.memref_squeeze %dma_wait3A_236 : memref<1x128x128xf32, #tpu.memory_space<vmem>> -> memref<128x128xf32, #tpu.memory_space<vmem>>
      %dma_wait3A_238 = arith.constant 0 : i32
      %dma_wait3A_239 = tpu.memref_slice %arg5[%add3A_232, %dma_wait3A_238] : memref<200x128xi32, #tpu.memory_space<vmem>> -> memref<1x128xi32, #tpu.memory_space<vmem>>
      %dma_wait3A_240 = tpu.memref_squeeze %dma_wait3A_239 : memref<1x128xi32, #tpu.memory_space<vmem>> -> memref<128xi32, #tpu.memory_space<vmem>>
      %dma_wait3A_241 = arith.constant 0 : i32
      %dma_wait3A_242 = arith.constant 0 : i32
      %dma_wait3A_243 = tpu.memref_slice %arg3[%dma_wait3A_241, %dma_wait3A_242] : memref<100000x128xf32, #tpu.memory_space<hbm>> -> memref<100000x128xf32, #tpu.memory_space<hbm>>
      tpu.wait_indirect_dma semaphore(%arg10 : memref<!tpu.dma_semaphore, #tpu.memory_space<semaphore_mem>>) src(%dma_wait3A_243 : memref<100000x128xf32, #tpu.memory_space<hbm>>) dst(%dma_wait3A_237 : memref<128x128xf32, #tpu.memory_space<vmem>>)
      %parallel_loop3A_244 = arith.constant 0 : i32
      %parallel_loop3A_245 = arith.constant 128 : i32
      %parallel_loop3A_246 = arith.constant 1 : i32
      scf.for %parallel_loop3A_327 = %parallel_loop3A_244 to %parallel_loop3A_245 step %parallel_loop3A_246  : i32 {
        %parallel_loop3A_328 = arith.constant 3 : i32
        %parallel_loop3A_329 = arith.index_cast %parallel_loop3A_328 : i32 to index
        %parallel_loop3A_330 = arith.index_cast %parallel_loop3A_327 : i32 to index
        %parallel_loop3A_331 = arith.constant 0 : index
        %parallel_loop3A_332 = tpu.vector_load %arg6[%parallel_loop3A_329, %parallel_loop3A_330, %parallel_loop3A_331] {strides = array<i32>} : memref<5x128x128xf32, #tpu.memory_space<vmem>>, vector<1x1x16xf32>,
        %parallel_loop3A_333 = vector.shape_cast %parallel_loop3A_332 : vector<1x1x16xf32> to vector<16xf32>
        %parallel_loop3A_334 = arith.constant 11.3137083 : f32
        %parallel_loop3A_335 = vector.broadcast %parallel_loop3A_334 : f32 to vector<16xf32>
        %parallel_loop3A_336 = arith.mulf %parallel_loop3A_333, %parallel_loop3A_335 : vector<16xf32>
        %parallel_loop3A_337 = arith.constant 3 : i32
        %parallel_loop3A_338 = arith.index_cast %parallel_loop3A_337 : i32 to index
        %parallel_loop3A_339 = arith.index_cast %parallel_loop3A_327 : i32 to index
        %parallel_loop3A_340 = arith.constant 0 : index
        %parallel_loop3A_341 = tpu.vector_load %arg6[%parallel_loop3A_338, %parallel_loop3A_339, %parallel_loop3A_340] {strides = array<i32>} : memref<5x128x128xf32, #tpu.memory_space<vmem>>, vector<1x1x16xf32>,
        %parallel_loop3A_342 = vector.shape_cast %parallel_loop3A_341 : vector<1x1x16xf32> to vector<16xf32>
        %parallel_loop3A_343 = vector.shape_cast %parallel_loop3A_336 : vector<16xf32> to vector<1x1x16xf32>
        tpu.vector_store %arg6[%parallel_loop3A_338, %parallel_loop3A_339, %parallel_loop3A_340], %parallel_loop3A_343 {strides = array<i32>} : memref<5x128x128xf32, #tpu.memory_space<vmem>>, vector<1x1x16xf32>,
        %parallel_loop3A_344 = arith.constant 3 : i32
        %parallel_loop3A_345 = arith.index_cast %parallel_loop3A_344 : i32 to index
        %parallel_loop3A_346 = arith.index_cast %parallel_loop3A_327 : i32 to index
        %parallel_loop3A_347 = arith.constant 16 : index
        %parallel_loop3A_348 = tpu.vector_load %arg6[%parallel_loop3A_345, %parallel_loop3A_346, %parallel_loop3A_347] {strides = array<i32>} : memref<5x128x128xf32, #tpu.memory_space<vmem>>, vector<1x1x16xf32>,
        %parallel_loop3A_349 = vector.shape_cast %parallel_loop3A_348 : vector<1x1x16xf32> to vector<16xf32>
        %parallel_loop3A_350 = arith.constant 11.3137083 : f32
        %parallel_loop3A_351 = vector.broadcast %parallel_loop3A_350 : f32 to vector<16xf32>
        %parallel_loop3A_352 = arith.mulf %parallel_loop3A_349, %parallel_loop3A_351 : vector<16xf32>
        %parallel_loop3A_353 = arith.constant 3 : i32
        %parallel_loop3A_354 = arith.index_cast %parallel_loop3A_353 : i32 to index
        %parallel_loop3A_355 = arith.index_cast %parallel_loop3A_327 : i32 to index
        %parallel_loop3A_356 = arith.constant 16 : index
        %parallel_loop3A_357 = tpu.vector_load %arg6[%parallel_loop3A_354, %parallel_loop3A_355, %parallel_loop3A_356] {strides = array<i32>} : memref<5x128x128xf32, #tpu.memory_space<vmem>>, vector<1x1x16xf32>,
        %parallel_loop3A_358 = vector.shape_cast %parallel_loop3A_357 : vector<1x1x16xf32> to vector<16xf32>
        %parallel_loop3A_359 = vector.shape_cast %parallel_loop3A_352 : vector<16xf32> to vector<1x1x16xf32>
        tpu.vector_store %arg6[%parallel_loop3A_354, %parallel_loop3A_355, %parallel_loop3A_356], %parallel_loop3A_359 {strides = array<i32>} : memref<5x128x128xf32, #tpu.memory_space<vmem>>, vector<1x1x16xf32>,
        %parallel_loop3A_360 = arith.constant 3 : i32
        %parallel_loop3A_361 = arith.index_cast %parallel_loop3A_360 : i32 to index
        %parallel_loop3A_362 = arith.index_cast %parallel_loop3A_327 : i32 to index
        %parallel_loop3A_363 = arith.constant 32 : index
        %parallel_loop3A_364 = tpu.vector_load %arg6[%parallel_loop3A_361, %parallel_loop3A_362, %parallel_loop3A_363] {strides = array<i32>} : memref<5x128x128xf32, #tpu.memory_space<vmem>>, vector<1x1x16xf32>,
        %parallel_loop3A_365 = vector.shape_cast %parallel_loop3A_364 : vector<1x1x16xf32> to vector<16xf32>
        %parallel_loop3A_366 = arith.constant 11.3137083 : f32
        %parallel_loop3A_367 = vector.broadcast %parallel_loop3A_366 : f32 to vector<16xf32>
        %parallel_loop3A_368 = arith.mulf %parallel_loop3A_365, %parallel_loop3A_367 : vector<16xf32>
        %parallel_loop3A_369 = arith.constant 3 : i32
        %parallel_loop3A_370 = arith.index_cast %parallel_loop3A_369 : i32 to index
        %parallel_loop3A_371 = arith.index_cast %parallel_loop3A_327 : i32 to index
        %parallel_loop3A_372 = arith.constant 32 : index
        %parallel_loop3A_373 = tpu.vector_load %arg6[%parallel_loop3A_370, %parallel_loop3A_371, %parallel_loop3A_372] {strides = array<i32>} : memref<5x128x128xf32, #tpu.memory_space<vmem>>, vector<1x1x16xf32>,
        %parallel_loop3A_374 = vector.shape_cast %parallel_loop3A_373 : vector<1x1x16xf32> to vector<16xf32>
        %parallel_loop3A_375 = vector.shape_cast %parallel_loop3A_368 : vector<16xf32> to vector<1x1x16xf32>
        tpu.vector_store %arg6[%parallel_loop3A_370, %parallel_loop3A_371, %parallel_loop3A_372], %parallel_loop3A_375 {strides = array<i32>} : memref<5x128x128xf32, #tpu.memory_space<vmem>>, vector<1x1x16xf32>,
        %parallel_loop3A_376 = arith.constant 3 : i32
        %parallel_loop3A_377 = arith.index_cast %parallel_loop3A_376 : i32 to index
        %parallel_loop3A_378 = arith.index_cast %parallel_loop3A_327 : i32 to index
        %parallel_loop3A_379 = arith.constant 48 : index
        %parallel_loop3A_380 = tpu.vector_load %arg6[%parallel_loop3A_377, %parallel_loop3A_378, %parallel_loop3A_379] {strides = array<i32>} : memref<5x128x128xf32, #tpu.memory_space<vmem>>, vector<1x1x16xf32>,
        %parallel_loop3A_381 = vector.shape_cast %parallel_loop3A_380 : vector<1x1x16xf32> to vector<16xf32>
        %parallel_loop3A_382 = arith.constant 11.3137083 : f32
        %parallel_loop3A_383 = vector.broadcast %parallel_loop3A_382 : f32 to vector<16xf32>
        %parallel_loop3A_384 = arith.mulf %parallel_loop3A_381, %parallel_loop3A_383 : vector<16xf32>
        %parallel_loop3A_385 = arith.constant 3 : i32
        %parallel_loop3A_386 = arith.index_cast %parallel_loop3A_385 : i32 to index
        %parallel_loop3A_387 = arith.index_cast %parallel_loop3A_327 : i32 to index
        %parallel_loop3A_388 = arith.constant 48 : index
        %parallel_loop3A_389 = tpu.vector_load %arg6[%parallel_loop3A_386, %parallel_loop3A_387, %parallel_loop3A_388] {strides = array<i32>} : memref<5x128x128xf32, #tpu.memory_space<vmem>>, vector<1x1x16xf32>,
        %parallel_loop3A_390 = vector.shape_cast %parallel_loop3A_389 : vector<1x1x16xf32> to vector<16xf32>
        %parallel_loop3A_391 = vector.shape_cast %parallel_loop3A_384 : vector<16xf32> to vector<1x1x16xf32>
        tpu.vector_store %arg6[%parallel_loop3A_386, %parallel_loop3A_387, %parallel_loop3A_388], %parallel_loop3A_391 {strides = array<i32>} : memref<5x128x128xf32, #tpu.memory_space<vmem>>, vector<1x1x16xf32>,
        %parallel_loop3A_392 = arith.constant 3 : i32
        %parallel_loop3A_393 = arith.index_cast %parallel_loop3A_392 : i32 to index
        %parallel_loop3A_394 = arith.index_cast %parallel_loop3A_327 : i32 to index
        %parallel_loop3A_395 = arith.constant 64 : index
        %parallel_loop3A_396 = tpu.vector_load %arg6[%parallel_loop3A_393, %parallel_loop3A_394, %parallel_loop3A_395] {strides = array<i32>} : memref<5x128x128xf32, #tpu.memory_space<vmem>>, vector<1x1x16xf32>,
        %parallel_loop3A_397 = vector.shape_cast %parallel_loop3A_396 : vector<1x1x16xf32> to vector<16xf32>
        %parallel_loop3A_398 = arith.constant 11.3137083 : f32
        %parallel_loop3A_399 = vector.broadcast %parallel_loop3A_398 : f32 to vector<16xf32>
        %parallel_loop3A_400 = arith.mulf %parallel_loop3A_397, %parallel_loop3A_399 : vector<16xf32>
        %parallel_loop3A_401 = arith.constant 3 : i32
        %parallel_loop3A_402 = arith.index_cast %parallel_loop3A_401 : i32 to index
        %parallel_loop3A_403 = arith.index_cast %parallel_loop3A_327 : i32 to index
        %parallel_loop3A_404 = arith.constant 64 : index
        %parallel_loop3A_405 = tpu.vector_load %arg6[%parallel_loop3A_402, %parallel_loop3A_403, %parallel_loop3A_404] {strides = array<i32>} : memref<5x128x128xf32, #tpu.memory_space<vmem>>, vector<1x1x16xf32>,
        %parallel_loop3A_406 = vector.shape_cast %parallel_loop3A_405 : vector<1x1x16xf32> to vector<16xf32>
        %parallel_loop3A_407 = vector.shape_cast %parallel_loop3A_400 : vector<16xf32> to vector<1x1x16xf32>
        tpu.vector_store %arg6[%parallel_loop3A_402, %parallel_loop3A_403, %parallel_loop3A_404], %parallel_loop3A_407 {strides = array<i32>} : memref<5x128x128xf32, #tpu.memory_space<vmem>>, vector<1x1x16xf32>,
        %parallel_loop3A_408 = arith.constant 3 : i32
        %parallel_loop3A_409 = arith.index_cast %parallel_loop3A_408 : i32 to index
        %parallel_loop3A_410 = arith.index_cast %parallel_loop3A_327 : i32 to index
        %parallel_loop3A_411 = arith.constant 80 : index
        %parallel_loop3A_412 = tpu.vector_load %arg6[%parallel_loop3A_409, %parallel_loop3A_410, %parallel_loop3A_411] {strides = array<i32>} : memref<5x128x128xf32, #tpu.memory_space<vmem>>, vector<1x1x16xf32>,
        %parallel_loop3A_413 = vector.shape_cast %parallel_loop3A_412 : vector<1x1x16xf32> to vector<16xf32>
        %parallel_loop3A_414 = arith.constant 11.3137083 : f32
        %parallel_loop3A_415 = vector.broadcast %parallel_loop3A_414 : f32 to vector<16xf32>
        %parallel_loop3A_416 = arith.mulf %parallel_loop3A_413, %parallel_loop3A_415 : vector<16xf32>
        %parallel_loop3A_417 = arith.constant 3 : i32
        %parallel_loop3A_418 = arith.index_cast %parallel_loop3A_417 : i32 to index
        %parallel_loop3A_419 = arith.index_cast %parallel_loop3A_327 : i32 to index
        %parallel_loop3A_420 = arith.constant 80 : index
        %parallel_loop3A_421 = tpu.vector_load %arg6[%parallel_loop3A_418, %parallel_loop3A_419, %parallel_loop3A_420] {strides = array<i32>} : memref<5x128x128xf32, #tpu.memory_space<vmem>>, vector<1x1x16xf32>,
        %parallel_loop3A_422 = vector.shape_cast %parallel_loop3A_421 : vector<1x1x16xf32> to vector<16xf32>
        %parallel_loop3A_423 = vector.shape_cast %parallel_loop3A_416 : vector<16xf32> to vector<1x1x16xf32>
        tpu.vector_store %arg6[%parallel_loop3A_418, %parallel_loop3A_419, %parallel_loop3A_420], %parallel_loop3A_423 {strides = array<i32>} : memref<5x128x128xf32, #tpu.memory_space<vmem>>, vector<1x1x16xf32>,
        %parallel_loop3A_424 = arith.constant 3 : i32
        %parallel_loop3A_425 = arith.index_cast %parallel_loop3A_424 : i32 to index
        %parallel_loop3A_426 = arith.index_cast %parallel_loop3A_327 : i32 to index
        %parallel_loop3A_427 = arith.constant 96 : index
        %parallel_loop3A_428 = tpu.vector_load %arg6[%parallel_loop3A_425, %parallel_loop3A_426, %parallel_loop3A_427] {strides = array<i32>} : memref<5x128x128xf32, #tpu.memory_space<vmem>>, vector<1x1x16xf32>,
        %parallel_loop3A_429 = vector.shape_cast %parallel_loop3A_428 : vector<1x1x16xf32> to vector<16xf32>
        %parallel_loop3A_430 = arith.constant 11.3137083 : f32
        %parallel_loop3A_431 = vector.broadcast %parallel_loop3A_430 : f32 to vector<16xf32>
        %parallel_loop3A_432 = arith.mulf %parallel_loop3A_429, %parallel_loop3A_431 : vector<16xf32>
        %parallel_loop3A_433 = arith.constant 3 : i32
        %parallel_loop3A_434 = arith.index_cast %parallel_loop3A_433 : i32 to index
        %parallel_loop3A_435 = arith.index_cast %parallel_loop3A_327 : i32 to index
        %parallel_loop3A_436 = arith.constant 96 : index
        %parallel_loop3A_437 = tpu.vector_load %arg6[%parallel_loop3A_434, %parallel_loop3A_435, %parallel_loop3A_436] {strides = array<i32>} : memref<5x128x128xf32, #tpu.memory_space<vmem>>, vector<1x1x16xf32>,
        %parallel_loop3A_438 = vector.shape_cast %parallel_loop3A_437 : vector<1x1x16xf32> to vector<16xf32>
        %parallel_loop3A_439 = vector.shape_cast %parallel_loop3A_432 : vector<16xf32> to vector<1x1x16xf32>
        tpu.vector_store %arg6[%parallel_loop3A_434, %parallel_loop3A_435, %parallel_loop3A_436], %parallel_loop3A_439 {strides = array<i32>} : memref<5x128x128xf32, #tpu.memory_space<vmem>>, vector<1x1x16xf32>,
        %parallel_loop3A_440 = arith.constant 3 : i32
        %parallel_loop3A_441 = arith.index_cast %parallel_loop3A_440 : i32 to index
        %parallel_loop3A_442 = arith.index_cast %parallel_loop3A_327 : i32 to index
        %parallel_loop3A_443 = arith.constant 112 : index
        %parallel_loop3A_444 = tpu.vector_load %arg6[%parallel_loop3A_441, %parallel_loop3A_442, %parallel_loop3A_443] {strides = array<i32>} : memref<5x128x128xf32, #tpu.memory_space<vmem>>, vector<1x1x16xf32>,
        %parallel_loop3A_445 = vector.shape_cast %parallel_loop3A_444 : vector<1x1x16xf32> to vector<16xf32>
        %parallel_loop3A_446 = arith.constant 11.3137083 : f32
        %parallel_loop3A_447 = vector.broadcast %parallel_loop3A_446 : f32 to vector<16xf32>
        %parallel_loop3A_448 = arith.mulf %parallel_loop3A_445, %parallel_loop3A_447 : vector<16xf32>
        %parallel_loop3A_449 = arith.constant 3 : i32
        %parallel_loop3A_450 = arith.index_cast %parallel_loop3A_449 : i32 to index
        %parallel_loop3A_451 = arith.index_cast %parallel_loop3A_327 : i32 to index
        %parallel_loop3A_452 = arith.constant 112 : index
        %parallel_loop3A_453 = tpu.vector_load %arg6[%parallel_loop3A_450, %parallel_loop3A_451, %parallel_loop3A_452] {strides = array<i32>} : memref<5x128x128xf32, #tpu.memory_space<vmem>>, vector<1x1x16xf32>,
        %parallel_loop3A_454 = vector.shape_cast %parallel_loop3A_453 : vector<1x1x16xf32> to vector<16xf32>
        %parallel_loop3A_455 = vector.shape_cast %parallel_loop3A_448 : vector<16xf32> to vector<1x1x16xf32>
        tpu.vector_store %arg6[%parallel_loop3A_450, %parallel_loop3A_451, %parallel_loop3A_452], %parallel_loop3A_455 {strides = array<i32>} : memref<5x128x128xf32, #tpu.memory_space<vmem>>, vector<1x1x16xf32>,
      } {sc.loop_unroll_factor = 2 : i64, sc.parallel_access}
      %mul3A_247 = arith.constant 128 : i32
      %mul3A_248 = arith.muli %add3A_232, %mul3A_247 : i32
      %add3A_249 = arith.addi %mul3A_2, %mul3A_248 : i32
      %dma_start3A_250 = arith.constant 3 : i32
      %dma_start3A_251 = arith.constant 0 : i32
      %dma_start3A_252 = arith.constant 0 : i32
      %dma_start3A_253 = tpu.memref_slice %arg6[%dma_start3A_250, %dma_start3A_251, %dma_start3A_252] : memref<5x128x128xf32, #tpu.memory_space<vmem>> -> memref<1x128x128xf32, #tpu.memory_space<vmem>>
      %dma_start3A_254 = tpu.memref_squeeze %dma_start3A_253 : memref<1x128x128xf32, #tpu.memory_space<vmem>> -> memref<128x128xf32, #tpu.memory_space<vmem>>
      %dma_start3A_255 = arith.constant 0 : i32
      %dma_start3A_256 = tpu.memref_slice %arg4[%add3A_249, %dma_start3A_255] : memref<819200x128xf32, #tpu.memory_space<hbm>> -> memref<128x128xf32, #tpu.memory_space<hbm>>
      %dma_start3A_257 = arith.constant 0 : i32
      %dma_start3A_258 = tpu.memref_slice %arg4[%add3A_249, %dma_start3A_257] : memref<819200x128xf32, #tpu.memory_space<hbm>> -> memref<128x128xf32, #tpu.memory_space<hbm>>
      %dma_start3A_259 = arith.constant 0 : i32
      %dma_start3A_260 = arith.constant 0 : i32
      %dma_start3A_261 = tpu.memref_slice %arg6[%dma_start3A_250, %dma_start3A_259, %dma_start3A_260] : memref<5x128x128xf32, #tpu.memory_space<vmem>> -> memref<1x128x128xf32, #tpu.memory_space<vmem>>
      %dma_start3A_262 = tpu.memref_squeeze %dma_start3A_261 : memref<1x128x128xf32, #tpu.memory_space<vmem>> -> memref<128x128xf32, #tpu.memory_space<vmem>>
      tpu.enqueue_dma source(%dma_start3A_262 : memref<128x128xf32, #tpu.memory_space<vmem>>) target(%dma_start3A_258 : memref<128x128xf32, #tpu.memory_space<hbm>>) target_semaphore(%arg15 : memref<!tpu.dma_semaphore, #tpu.memory_space<semaphore_mem>>)
      %add3A_263 = arith.constant 3 : i32
      %add3A_264 = arith.addi %add3A_232, %add3A_263 : i32
      %ge3A_265 = arith.constant 5 : i32
      %ge3A_266 = arith.cmpi sge, %add3A_264, %ge3A_265 : i32
      %lt3A_267 = arith.constant 200 : i32
      %lt3A_268 = arith.cmpi slt, %add3A_264, %lt3A_267 : i32
      %and3A_269 = arith.andi %ge3A_266, %lt3A_268 : i1
      %convert_element_type3A_270 = arith.extui %and3A_269 : i1 to i32
      %cond3A_271 = arith.constant 0 : i32
      %cond3A_272 = arith.cmpi ne, %convert_element_type3A_270, %cond3A_271 : i32
      scf.if %cond3A_272 {
        %sub3A = arith.constant 5 : i32
        %sub3A_327 = arith.subi %add3A_264, %sub3A : i32
        %mul3A_328 = arith.constant 128 : i32
        %mul3A_329 = arith.muli %sub3A_327, %mul3A_328 : i32
        %add3A_330 = arith.addi %mul3A_2, %mul3A_329 : i32
        %dma_wait3A_331 = arith.constant 1 : i32
        %dma_wait3A_332 = arith.constant 0 : i32
        %dma_wait3A_333 = arith.constant 0 : i32
        %dma_wait3A_334 = tpu.memref_slice %arg6[%dma_wait3A_331, %dma_wait3A_332, %dma_wait3A_333] : memref<5x128x128xf32, #tpu.memory_space<vmem>> -> memref<1x128x128xf32, #tpu.memory_space<vmem>>
        %dma_wait3A_335 = tpu.memref_squeeze %dma_wait3A_334 : memref<1x128x128xf32, #tpu.memory_space<vmem>> -> memref<128x128xf32, #tpu.memory_space<vmem>>
        %dma_wait3A_336 = arith.constant 0 : i32
        %dma_wait3A_337 = tpu.memref_slice %arg4[%add3A_330, %dma_wait3A_336] : memref<819200x128xf32, #tpu.memory_space<hbm>> -> memref<128x128xf32, #tpu.memory_space<hbm>>
        %dma_wait3A_338 = arith.constant 0 : i32
        %dma_wait3A_339 = tpu.memref_slice %arg4[%add3A_330, %dma_wait3A_338] : memref<819200x128xf32, #tpu.memory_space<hbm>> -> memref<128x128xf32, #tpu.memory_space<hbm>>
        %dma_wait3A_340 = arith.constant 0 : i32
        %dma_wait3A_341 = arith.constant 0 : i32
        %dma_wait3A_342 = tpu.memref_slice %arg6[%dma_wait3A_331, %dma_wait3A_340, %dma_wait3A_341] : memref<5x128x128xf32, #tpu.memory_space<vmem>> -> memref<1x128x128xf32, #tpu.memory_space<vmem>>
        %dma_wait3A_343 = tpu.memref_squeeze %dma_wait3A_342 : memref<1x128x128xf32, #tpu.memory_space<vmem>> -> memref<128x128xf32, #tpu.memory_space<vmem>>
        tpu.wait_dma2 semaphore(%arg13 : memref<!tpu.dma_semaphore, #tpu.memory_space<semaphore_mem>>) src(%dma_wait3A_343 : memref<128x128xf32, #tpu.memory_space<vmem>>) dst(%dma_wait3A_339 : memref<128x128xf32, #tpu.memory_space<hbm>>)
      } else {
      }
      %lt3A_273 = arith.constant 200 : i32
      %lt3A_274 = arith.cmpi slt, %add3A_264, %lt3A_273 : i32
      %convert_element_type3A_275 = arith.extui %lt3A_274 : i1 to i32
      %cond3A_276 = arith.constant 0 : i32
      %cond3A_277 = arith.cmpi ne, %convert_element_type3A_275, %cond3A_276 : i32
      scf.if %cond3A_277 {
        %dma_start3A_327 = arith.constant 1 : i32
        %dma_start3A_328 = arith.constant 0 : i32
        %dma_start3A_329 = arith.constant 0 : i32
        %dma_start3A_330 = tpu.memref_slice %arg6[%dma_start3A_327, %dma_start3A_328, %dma_start3A_329] : memref<5x128x128xf32, #tpu.memory_space<vmem>> -> memref<1x128x128xf32, #tpu.memory_space<vmem>>
        %dma_start3A_331 = tpu.memref_squeeze %dma_start3A_330 : memref<1x128x128xf32, #tpu.memory_space<vmem>> -> memref<128x128xf32, #tpu.memory_space<vmem>>
        %dma_start3A_332 = arith.constant 0 : i32
        %dma_start3A_333 = tpu.memref_slice %arg5[%add3A_264, %dma_start3A_332] : memref<200x128xi32, #tpu.memory_space<vmem>> -> memref<1x128xi32, #tpu.memory_space<vmem>>
        %dma_start3A_334 = tpu.memref_squeeze %dma_start3A_333 : memref<1x128xi32, #tpu.memory_space<vmem>> -> memref<128xi32, #tpu.memory_space<vmem>>
        %dma_start3A_335 = arith.constant 0 : i32
        %dma_start3A_336 = arith.constant 0 : i32
        %dma_start3A_337 = tpu.memref_slice %arg3[%dma_start3A_335, %dma_start3A_336] : memref<100000x128xf32, #tpu.memory_space<hbm>> -> memref<100000x128xf32, #tpu.memory_space<hbm>>
        tpu.enqueue_indirect_dma source(%dma_start3A_337 : memref<100000x128xf32, #tpu.memory_space<hbm>>) target(%dma_start3A_331 : memref<128x128xf32, #tpu.memory_space<vmem>>) offsets(%dma_start3A_334 : memref<128xi32, #tpu.memory_space<vmem>>) semaphore(%arg8 : memref<!tpu.dma_semaphore, #tpu.memory_space<semaphore_mem>>)
      } else {
      }
      %mul3A_278 = arith.constant 5 : i32
      %mul3A_279 = arith.muli %scan3A_87, %mul3A_278 : i32
      %add3A_280 = arith.constant 4 : i32
      %add3A_281 = arith.addi %mul3A_279, %add3A_280 : i32
      %dma_wait3A_282 = arith.constant 4 : i32
      %dma_wait3A_283 = arith.constant 0 : i32
      %dma_wait3A_284 = arith.constant 0 : i32
      %dma_wait3A_285 = tpu.memref_slice %arg6[%dma_wait3A_282, %dma_wait3A_283, %dma_wait3A_284] : memref<5x128x128xf32, #tpu.memory_space<vmem>> -> memref<1x128x128xf32, #tpu.memory_space<vmem>>
      %dma_wait3A_286 = tpu.memref_squeeze %dma_wait3A_285 : memref<1x128x128xf32, #tpu.memory_space<vmem>> -> memref<128x128xf32, #tpu.memory_space<vmem>>
      %dma_wait3A_287 = arith.constant 0 : i32
      %dma_wait3A_288 = tpu.memref_slice %arg5[%add3A_281, %dma_wait3A_287] : memref<200x128xi32, #tpu.memory_space<vmem>> -> memref<1x128xi32, #tpu.memory_space<vmem>>
      %dma_wait3A_289 = tpu.memref_squeeze %dma_wait3A_288 : memref<1x128xi32, #tpu.memory_space<vmem>> -> memref<128xi32, #tpu.memory_space<vmem>>
      %dma_wait3A_290 = arith.constant 0 : i32
      %dma_wait3A_291 = arith.constant 0 : i32
      %dma_wait3A_292 = tpu.memref_slice %arg3[%dma_wait3A_290, %dma_wait3A_291] : memref<100000x128xf32, #tpu.memory_space<hbm>> -> memref<100000x128xf32, #tpu.memory_space<hbm>>
      tpu.wait_indirect_dma semaphore(%arg11 : memref<!tpu.dma_semaphore, #tpu.memory_space<semaphore_mem>>) src(%dma_wait3A_292 : memref<100000x128xf32, #tpu.memory_space<hbm>>) dst(%dma_wait3A_286 : memref<128x128xf32, #tpu.memory_space<vmem>>)
      %parallel_loop3A_293 = arith.constant 0 : i32
      %parallel_loop3A_294 = arith.constant 128 : i32
      %parallel_loop3A_295 = arith.constant 1 : i32
      scf.for %parallel_loop3A_327 = %parallel_loop3A_293 to %parallel_loop3A_294 step %parallel_loop3A_295  : i32 {
        %parallel_loop3A_328 = arith.constant 4 : i32
        %parallel_loop3A_329 = arith.index_cast %parallel_loop3A_328 : i32 to index
        %parallel_loop3A_330 = arith.index_cast %parallel_loop3A_327 : i32 to index
        %parallel_loop3A_331 = arith.constant 0 : index
        %parallel_loop3A_332 = tpu.vector_load %arg6[%parallel_loop3A_329, %parallel_loop3A_330, %parallel_loop3A_331] {strides = array<i32>} : memref<5x128x128xf32, #tpu.memory_space<vmem>>, vector<1x1x16xf32>,
        %parallel_loop3A_333 = vector.shape_cast %parallel_loop3A_332 : vector<1x1x16xf32> to vector<16xf32>
        %parallel_loop3A_334 = arith.constant 11.3137083 : f32
        %parallel_loop3A_335 = vector.broadcast %parallel_loop3A_334 : f32 to vector<16xf32>
        %parallel_loop3A_336 = arith.mulf %parallel_loop3A_333, %parallel_loop3A_335 : vector<16xf32>
        %parallel_loop3A_337 = arith.constant 4 : i32
        %parallel_loop3A_338 = arith.index_cast %parallel_loop3A_337 : i32 to index
        %parallel_loop3A_339 = arith.index_cast %parallel_loop3A_327 : i32 to index
        %parallel_loop3A_340 = arith.constant 0 : index
        %parallel_loop3A_341 = tpu.vector_load %arg6[%parallel_loop3A_338, %parallel_loop3A_339, %parallel_loop3A_340] {strides = array<i32>} : memref<5x128x128xf32, #tpu.memory_space<vmem>>, vector<1x1x16xf32>,
        %parallel_loop3A_342 = vector.shape_cast %parallel_loop3A_341 : vector<1x1x16xf32> to vector<16xf32>
        %parallel_loop3A_343 = vector.shape_cast %parallel_loop3A_336 : vector<16xf32> to vector<1x1x16xf32>
        tpu.vector_store %arg6[%parallel_loop3A_338, %parallel_loop3A_339, %parallel_loop3A_340], %parallel_loop3A_343 {strides = array<i32>} : memref<5x128x128xf32, #tpu.memory_space<vmem>>, vector<1x1x16xf32>,
        %parallel_loop3A_344 = arith.constant 4 : i32
        %parallel_loop3A_345 = arith.index_cast %parallel_loop3A_344 : i32 to index
        %parallel_loop3A_346 = arith.index_cast %parallel_loop3A_327 : i32 to index
        %parallel_loop3A_347 = arith.constant 16 : index
        %parallel_loop3A_348 = tpu.vector_load %arg6[%parallel_loop3A_345, %parallel_loop3A_346, %parallel_loop3A_347] {strides = array<i32>} : memref<5x128x128xf32, #tpu.memory_space<vmem>>, vector<1x1x16xf32>,
        %parallel_loop3A_349 = vector.shape_cast %parallel_loop3A_348 : vector<1x1x16xf32> to vector<16xf32>
        %parallel_loop3A_350 = arith.constant 11.3137083 : f32
        %parallel_loop3A_351 = vector.broadcast %parallel_loop3A_350 : f32 to vector<16xf32>
        %parallel_loop3A_352 = arith.mulf %parallel_loop3A_349, %parallel_loop3A_351 : vector<16xf32>
        %parallel_loop3A_353 = arith.constant 4 : i32
        %parallel_loop3A_354 = arith.index_cast %parallel_loop3A_353 : i32 to index
        %parallel_loop3A_355 = arith.index_cast %parallel_loop3A_327 : i32 to index
        %parallel_loop3A_356 = arith.constant 16 : index
        %parallel_loop3A_357 = tpu.vector_load %arg6[%parallel_loop3A_354, %parallel_loop3A_355, %parallel_loop3A_356] {strides = array<i32>} : memref<5x128x128xf32, #tpu.memory_space<vmem>>, vector<1x1x16xf32>,
        %parallel_loop3A_358 = vector.shape_cast %parallel_loop3A_357 : vector<1x1x16xf32> to vector<16xf32>
        %parallel_loop3A_359 = vector.shape_cast %parallel_loop3A_352 : vector<16xf32> to vector<1x1x16xf32>
        tpu.vector_store %arg6[%parallel_loop3A_354, %parallel_loop3A_355, %parallel_loop3A_356], %parallel_loop3A_359 {strides = array<i32>} : memref<5x128x128xf32, #tpu.memory_space<vmem>>, vector<1x1x16xf32>,
        %parallel_loop3A_360 = arith.constant 4 : i32
        %parallel_loop3A_361 = arith.index_cast %parallel_loop3A_360 : i32 to index
        %parallel_loop3A_362 = arith.index_cast %parallel_loop3A_327 : i32 to index
        %parallel_loop3A_363 = arith.constant 32 : index
        %parallel_loop3A_364 = tpu.vector_load %arg6[%parallel_loop3A_361, %parallel_loop3A_362, %parallel_loop3A_363] {strides = array<i32>} : memref<5x128x128xf32, #tpu.memory_space<vmem>>, vector<1x1x16xf32>,
        %parallel_loop3A_365 = vector.shape_cast %parallel_loop3A_364 : vector<1x1x16xf32> to vector<16xf32>
        %parallel_loop3A_366 = arith.constant 11.3137083 : f32
        %parallel_loop3A_367 = vector.broadcast %parallel_loop3A_366 : f32 to vector<16xf32>
        %parallel_loop3A_368 = arith.mulf %parallel_loop3A_365, %parallel_loop3A_367 : vector<16xf32>
        %parallel_loop3A_369 = arith.constant 4 : i32
        %parallel_loop3A_370 = arith.index_cast %parallel_loop3A_369 : i32 to index
        %parallel_loop3A_371 = arith.index_cast %parallel_loop3A_327 : i32 to index
        %parallel_loop3A_372 = arith.constant 32 : index
        %parallel_loop3A_373 = tpu.vector_load %arg6[%parallel_loop3A_370, %parallel_loop3A_371, %parallel_loop3A_372] {strides = array<i32>} : memref<5x128x128xf32, #tpu.memory_space<vmem>>, vector<1x1x16xf32>,
        %parallel_loop3A_374 = vector.shape_cast %parallel_loop3A_373 : vector<1x1x16xf32> to vector<16xf32>
        %parallel_loop3A_375 = vector.shape_cast %parallel_loop3A_368 : vector<16xf32> to vector<1x1x16xf32>
        tpu.vector_store %arg6[%parallel_loop3A_370, %parallel_loop3A_371, %parallel_loop3A_372], %parallel_loop3A_375 {strides = array<i32>} : memref<5x128x128xf32, #tpu.memory_space<vmem>>, vector<1x1x16xf32>,
        %parallel_loop3A_376 = arith.constant 4 : i32
        %parallel_loop3A_377 = arith.index_cast %parallel_loop3A_376 : i32 to index
        %parallel_loop3A_378 = arith.index_cast %parallel_loop3A_327 : i32 to index
        %parallel_loop3A_379 = arith.constant 48 : index
        %parallel_loop3A_380 = tpu.vector_load %arg6[%parallel_loop3A_377, %parallel_loop3A_378, %parallel_loop3A_379] {strides = array<i32>} : memref<5x128x128xf32, #tpu.memory_space<vmem>>, vector<1x1x16xf32>,
        %parallel_loop3A_381 = vector.shape_cast %parallel_loop3A_380 : vector<1x1x16xf32> to vector<16xf32>
        %parallel_loop3A_382 = arith.constant 11.3137083 : f32
        %parallel_loop3A_383 = vector.broadcast %parallel_loop3A_382 : f32 to vector<16xf32>
        %parallel_loop3A_384 = arith.mulf %parallel_loop3A_381, %parallel_loop3A_383 : vector<16xf32>
        %parallel_loop3A_385 = arith.constant 4 : i32
        %parallel_loop3A_386 = arith.index_cast %parallel_loop3A_385 : i32 to index
        %parallel_loop3A_387 = arith.index_cast %parallel_loop3A_327 : i32 to index
        %parallel_loop3A_388 = arith.constant 48 : index
        %parallel_loop3A_389 = tpu.vector_load %arg6[%parallel_loop3A_386, %parallel_loop3A_387, %parallel_loop3A_388] {strides = array<i32>} : memref<5x128x128xf32, #tpu.memory_space<vmem>>, vector<1x1x16xf32>,
        %parallel_loop3A_390 = vector.shape_cast %parallel_loop3A_389 : vector<1x1x16xf32> to vector<16xf32>
        %parallel_loop3A_391 = vector.shape_cast %parallel_loop3A_384 : vector<16xf32> to vector<1x1x16xf32>
        tpu.vector_store %arg6[%parallel_loop3A_386, %parallel_loop3A_387, %parallel_loop3A_388], %parallel_loop3A_391 {strides = array<i32>} : memref<5x128x128xf32, #tpu.memory_space<vmem>>, vector<1x1x16xf32>,
        %parallel_loop3A_392 = arith.constant 4 : i32
        %parallel_loop3A_393 = arith.index_cast %parallel_loop3A_392 : i32 to index
        %parallel_loop3A_394 = arith.index_cast %parallel_loop3A_327 : i32 to index
        %parallel_loop3A_395 = arith.constant 64 : index
        %parallel_loop3A_396 = tpu.vector_load %arg6[%parallel_loop3A_393, %parallel_loop3A_394, %parallel_loop3A_395] {strides = array<i32>} : memref<5x128x128xf32, #tpu.memory_space<vmem>>, vector<1x1x16xf32>,
        %parallel_loop3A_397 = vector.shape_cast %parallel_loop3A_396 : vector<1x1x16xf32> to vector<16xf32>
        %parallel_loop3A_398 = arith.constant 11.3137083 : f32
        %parallel_loop3A_399 = vector.broadcast %parallel_loop3A_398 : f32 to vector<16xf32>
        %parallel_loop3A_400 = arith.mulf %parallel_loop3A_397, %parallel_loop3A_399 : vector<16xf32>
        %parallel_loop3A_401 = arith.constant 4 : i32
        %parallel_loop3A_402 = arith.index_cast %parallel_loop3A_401 : i32 to index
        %parallel_loop3A_403 = arith.index_cast %parallel_loop3A_327 : i32 to index
        %parallel_loop3A_404 = arith.constant 64 : index
        %parallel_loop3A_405 = tpu.vector_load %arg6[%parallel_loop3A_402, %parallel_loop3A_403, %parallel_loop3A_404] {strides = array<i32>} : memref<5x128x128xf32, #tpu.memory_space<vmem>>, vector<1x1x16xf32>,
        %parallel_loop3A_406 = vector.shape_cast %parallel_loop3A_405 : vector<1x1x16xf32> to vector<16xf32>
        %parallel_loop3A_407 = vector.shape_cast %parallel_loop3A_400 : vector<16xf32> to vector<1x1x16xf32>
        tpu.vector_store %arg6[%parallel_loop3A_402, %parallel_loop3A_403, %parallel_loop3A_404], %parallel_loop3A_407 {strides = array<i32>} : memref<5x128x128xf32, #tpu.memory_space<vmem>>, vector<1x1x16xf32>,
        %parallel_loop3A_408 = arith.constant 4 : i32
        %parallel_loop3A_409 = arith.index_cast %parallel_loop3A_408 : i32 to index
        %parallel_loop3A_410 = arith.index_cast %parallel_loop3A_327 : i32 to index
        %parallel_loop3A_411 = arith.constant 80 : index
        %parallel_loop3A_412 = tpu.vector_load %arg6[%parallel_loop3A_409, %parallel_loop3A_410, %parallel_loop3A_411] {strides = array<i32>} : memref<5x128x128xf32, #tpu.memory_space<vmem>>, vector<1x1x16xf32>,
        %parallel_loop3A_413 = vector.shape_cast %parallel_loop3A_412 : vector<1x1x16xf32> to vector<16xf32>
        %parallel_loop3A_414 = arith.constant 11.3137083 : f32
        %parallel_loop3A_415 = vector.broadcast %parallel_loop3A_414 : f32 to vector<16xf32>
        %parallel_loop3A_416 = arith.mulf %parallel_loop3A_413, %parallel_loop3A_415 : vector<16xf32>
        %parallel_loop3A_417 = arith.constant 4 : i32
        %parallel_loop3A_418 = arith.index_cast %parallel_loop3A_417 : i32 to index
        %parallel_loop3A_419 = arith.index_cast %parallel_loop3A_327 : i32 to index
        %parallel_loop3A_420 = arith.constant 80 : index
        %parallel_loop3A_421 = tpu.vector_load %arg6[%parallel_loop3A_418, %parallel_loop3A_419, %parallel_loop3A_420] {strides = array<i32>} : memref<5x128x128xf32, #tpu.memory_space<vmem>>, vector<1x1x16xf32>,
        %parallel_loop3A_422 = vector.shape_cast %parallel_loop3A_421 : vector<1x1x16xf32> to vector<16xf32>
        %parallel_loop3A_423 = vector.shape_cast %parallel_loop3A_416 : vector<16xf32> to vector<1x1x16xf32>
        tpu.vector_store %arg6[%parallel_loop3A_418, %parallel_loop3A_419, %parallel_loop3A_420], %parallel_loop3A_423 {strides = array<i32>} : memref<5x128x128xf32, #tpu.memory_space<vmem>>, vector<1x1x16xf32>,
        %parallel_loop3A_424 = arith.constant 4 : i32
        %parallel_loop3A_425 = arith.index_cast %parallel_loop3A_424 : i32 to index
        %parallel_loop3A_426 = arith.index_cast %parallel_loop3A_327 : i32 to index
        %parallel_loop3A_427 = arith.constant 96 : index
        %parallel_loop3A_428 = tpu.vector_load %arg6[%parallel_loop3A_425, %parallel_loop3A_426, %parallel_loop3A_427] {strides = array<i32>} : memref<5x128x128xf32, #tpu.memory_space<vmem>>, vector<1x1x16xf32>,
        %parallel_loop3A_429 = vector.shape_cast %parallel_loop3A_428 : vector<1x1x16xf32> to vector<16xf32>
        %parallel_loop3A_430 = arith.constant 11.3137083 : f32
        %parallel_loop3A_431 = vector.broadcast %parallel_loop3A_430 : f32 to vector<16xf32>
        %parallel_loop3A_432 = arith.mulf %parallel_loop3A_429, %parallel_loop3A_431 : vector<16xf32>
        %parallel_loop3A_433 = arith.constant 4 : i32
        %parallel_loop3A_434 = arith.index_cast %parallel_loop3A_433 : i32 to index
        %parallel_loop3A_435 = arith.index_cast %parallel_loop3A_327 : i32 to index
        %parallel_loop3A_436 = arith.constant 96 : index
        %parallel_loop3A_437 = tpu.vector_load %arg6[%parallel_loop3A_434, %parallel_loop3A_435, %parallel_loop3A_436] {strides = array<i32>} : memref<5x128x128xf32, #tpu.memory_space<vmem>>, vector<1x1x16xf32>,
        %parallel_loop3A_438 = vector.shape_cast %parallel_loop3A_437 : vector<1x1x16xf32> to vector<16xf32>
        %parallel_loop3A_439 = vector.shape_cast %parallel_loop3A_432 : vector<16xf32> to vector<1x1x16xf32>
        tpu.vector_store %arg6[%parallel_loop3A_434, %parallel_loop3A_435, %parallel_loop3A_436], %parallel_loop3A_439 {strides = array<i32>} : memref<5x128x128xf32, #tpu.memory_space<vmem>>, vector<1x1x16xf32>,
        %parallel_loop3A_440 = arith.constant 4 : i32
        %parallel_loop3A_441 = arith.index_cast %parallel_loop3A_440 : i32 to index
        %parallel_loop3A_442 = arith.index_cast %parallel_loop3A_327 : i32 to index
        %parallel_loop3A_443 = arith.constant 112 : index
        %parallel_loop3A_444 = tpu.vector_load %arg6[%parallel_loop3A_441, %parallel_loop3A_442, %parallel_loop3A_443] {strides = array<i32>} : memref<5x128x128xf32, #tpu.memory_space<vmem>>, vector<1x1x16xf32>,
        %parallel_loop3A_445 = vector.shape_cast %parallel_loop3A_444 : vector<1x1x16xf32> to vector<16xf32>
        %parallel_loop3A_446 = arith.constant 11.3137083 : f32
        %parallel_loop3A_447 = vector.broadcast %parallel_loop3A_446 : f32 to vector<16xf32>
        %parallel_loop3A_448 = arith.mulf %parallel_loop3A_445, %parallel_loop3A_447 : vector<16xf32>
        %parallel_loop3A_449 = arith.constant 4 : i32
        %parallel_loop3A_450 = arith.index_cast %parallel_loop3A_449 : i32 to index
        %parallel_loop3A_451 = arith.index_cast %parallel_loop3A_327 : i32 to index
        %parallel_loop3A_452 = arith.constant 112 : index
        %parallel_loop3A_453 = tpu.vector_load %arg6[%parallel_loop3A_450, %parallel_loop3A_451, %parallel_loop3A_452] {strides = array<i32>} : memref<5x128x128xf32, #tpu.memory_space<vmem>>, vector<1x1x16xf32>,
        %parallel_loop3A_454 = vector.shape_cast %parallel_loop3A_453 : vector<1x1x16xf32> to vector<16xf32>
        %parallel_loop3A_455 = vector.shape_cast %parallel_loop3A_448 : vector<16xf32> to vector<1x1x16xf32>
        tpu.vector_store %arg6[%parallel_loop3A_450, %parallel_loop3A_451, %parallel_loop3A_452], %parallel_loop3A_455 {strides = array<i32>} : memref<5x128x128xf32, #tpu.memory_space<vmem>>, vector<1x1x16xf32>,
      } {sc.loop_unroll_factor = 2 : i64, sc.parallel_access}
      %mul3A_296 = arith.constant 128 : i32
      %mul3A_297 = arith.muli %add3A_281, %mul3A_296 : i32
      %add3A_298 = arith.addi %mul3A_2, %mul3A_297 : i32
      %dma_start3A_299 = arith.constant 4 : i32
      %dma_start3A_300 = arith.constant 0 : i32
      %dma_start3A_301 = arith.constant 0 : i32
      %dma_start3A_302 = tpu.memref_slice %arg6[%dma_start3A_299, %dma_start3A_300, %dma_start3A_301] : memref<5x128x128xf32, #tpu.memory_space<vmem>> -> memref<1x128x128xf32, #tpu.memory_space<vmem>>
      %dma_start3A_303 = tpu.memref_squeeze %dma_start3A_302 : memref<1x128x128xf32, #tpu.memory_space<vmem>> -> memref<128x128xf32, #tpu.memory_space<vmem>>
      %dma_start3A_304 = arith.constant 0 : i32
      %dma_start3A_305 = tpu.memref_slice %arg4[%add3A_298, %dma_start3A_304] : memref<819200x128xf32, #tpu.memory_space<hbm>> -> memref<128x128xf32, #tpu.memory_space<hbm>>
      %dma_start3A_306 = arith.constant 0 : i32
      %dma_start3A_307 = tpu.memref_slice %arg4[%add3A_298, %dma_start3A_306] : memref<819200x128xf32, #tpu.memory_space<hbm>> -> memref<128x128xf32, #tpu.memory_space<hbm>>
      %dma_start3A_308 = arith.constant 0 : i32
      %dma_start3A_309 = arith.constant 0 : i32
      %dma_start3A_310 = tpu.memref_slice %arg6[%dma_start3A_299, %dma_start3A_308, %dma_start3A_309] : memref<5x128x128xf32, #tpu.memory_space<vmem>> -> memref<1x128x128xf32, #tpu.memory_space<vmem>>
      %dma_start3A_311 = tpu.memref_squeeze %dma_start3A_310 : memref<1x128x128xf32, #tpu.memory_space<vmem>> -> memref<128x128xf32, #tpu.memory_space<vmem>>
      tpu.enqueue_dma source(%dma_start3A_311 : memref<128x128xf32, #tpu.memory_space<vmem>>) target(%dma_start3A_307 : memref<128x128xf32, #tpu.memory_space<hbm>>) target_semaphore(%arg16 : memref<!tpu.dma_semaphore, #tpu.memory_space<semaphore_mem>>)
      %add3A_312 = arith.constant 3 : i32
      %add3A_313 = arith.addi %add3A_281, %add3A_312 : i32
      %ge3A_314 = arith.constant 5 : i32
      %ge3A_315 = arith.cmpi sge, %add3A_313, %ge3A_314 : i32
      %lt3A_316 = arith.constant 200 : i32
      %lt3A_317 = arith.cmpi slt, %add3A_313, %lt3A_316 : i32
      %and3A_318 = arith.andi %ge3A_315, %lt3A_317 : i1
      %convert_element_type3A_319 = arith.extui %and3A_318 : i1 to i32
      %cond3A_320 = arith.constant 0 : i32
      %cond3A_321 = arith.cmpi ne, %convert_element_type3A_319, %cond3A_320 : i32
      scf.if %cond3A_321 {
        %sub3A = arith.constant 5 : i32
        %sub3A_327 = arith.subi %add3A_313, %sub3A : i32
        %mul3A_328 = arith.constant 128 : i32
        %mul3A_329 = arith.muli %sub3A_327, %mul3A_328 : i32
        %add3A_330 = arith.addi %mul3A_2, %mul3A_329 : i32
        %dma_wait3A_331 = arith.constant 2 : i32
        %dma_wait3A_332 = arith.constant 0 : i32
        %dma_wait3A_333 = arith.constant 0 : i32
        %dma_wait3A_334 = tpu.memref_slice %arg6[%dma_wait3A_331, %dma_wait3A_332, %dma_wait3A_333] : memref<5x128x128xf32, #tpu.memory_space<vmem>> -> memref<1x128x128xf32, #tpu.memory_space<vmem>>
        %dma_wait3A_335 = tpu.memref_squeeze %dma_wait3A_334 : memref<1x128x128xf32, #tpu.memory_space<vmem>> -> memref<128x128xf32, #tpu.memory_space<vmem>>
        %dma_wait3A_336 = arith.constant 0 : i32
        %dma_wait3A_337 = tpu.memref_slice %arg4[%add3A_330, %dma_wait3A_336] : memref<819200x128xf32, #tpu.memory_space<hbm>> -> memref<128x128xf32, #tpu.memory_space<hbm>>
        %dma_wait3A_338 = arith.constant 0 : i32
        %dma_wait3A_339 = tpu.memref_slice %arg4[%add3A_330, %dma_wait3A_338] : memref<819200x128xf32, #tpu.memory_space<hbm>> -> memref<128x128xf32, #tpu.memory_space<hbm>>
        %dma_wait3A_340 = arith.constant 0 : i32
        %dma_wait3A_341 = arith.constant 0 : i32
        %dma_wait3A_342 = tpu.memref_slice %arg6[%dma_wait3A_331, %dma_wait3A_340, %dma_wait3A_341] : memref<5x128x128xf32, #tpu.memory_space<vmem>> -> memref<1x128x128xf32, #tpu.memory_space<vmem>>
        %dma_wait3A_343 = tpu.memref_squeeze %dma_wait3A_342 : memref<1x128x128xf32, #tpu.memory_space<vmem>> -> memref<128x128xf32, #tpu.memory_space<vmem>>
        tpu.wait_dma2 semaphore(%arg14 : memref<!tpu.dma_semaphore, #tpu.memory_space<semaphore_mem>>) src(%dma_wait3A_343 : memref<128x128xf32, #tpu.memory_space<vmem>>) dst(%dma_wait3A_339 : memref<128x128xf32, #tpu.memory_space<hbm>>)
      } else {
      }
      %lt3A_322 = arith.constant 200 : i32
      %lt3A_323 = arith.cmpi slt, %add3A_313, %lt3A_322 : i32
      %convert_element_type3A_324 = arith.extui %lt3A_323 : i1 to i32
      %cond3A_325 = arith.constant 0 : i32
      %cond3A_326 = arith.cmpi ne, %convert_element_type3A_324, %cond3A_325 : i32
      scf.if %cond3A_326 {
        %dma_start3A_327 = arith.constant 2 : i32
        %dma_start3A_328 = arith.constant 0 : i32
        %dma_start3A_329 = arith.constant 0 : i32
        %dma_start3A_330 = tpu.memref_slice %arg6[%dma_start3A_327, %dma_start3A_328, %dma_start3A_329] : memref<5x128x128xf32, #tpu.memory_space<vmem>> -> memref<1x128x128xf32, #tpu.memory_space<vmem>>
        %dma_start3A_331 = tpu.memref_squeeze %dma_start3A_330 : memref<1x128x128xf32, #tpu.memory_space<vmem>> -> memref<128x128xf32, #tpu.memory_space<vmem>>
        %dma_start3A_332 = arith.constant 0 : i32
        %dma_start3A_333 = tpu.memref_slice %arg5[%add3A_313, %dma_start3A_332] : memref<200x128xi32, #tpu.memory_space<vmem>> -> memref<1x128xi32, #tpu.memory_space<vmem>>
        %dma_start3A_334 = tpu.memref_squeeze %dma_start3A_333 : memref<1x128xi32, #tpu.memory_space<vmem>> -> memref<128xi32, #tpu.memory_space<vmem>>
        %dma_start3A_335 = arith.constant 0 : i32
        %dma_start3A_336 = arith.constant 0 : i32
        %dma_start3A_337 = tpu.memref_slice %arg3[%dma_start3A_335, %dma_start3A_336] : memref<100000x128xf32, #tpu.memory_space<hbm>> -> memref<100000x128xf32, #tpu.memory_space<hbm>>
        tpu.enqueue_indirect_dma source(%dma_start3A_337 : memref<100000x128xf32, #tpu.memory_space<hbm>>) target(%dma_start3A_331 : memref<128x128xf32, #tpu.memory_space<vmem>>) offsets(%dma_start3A_334 : memref<128xi32, #tpu.memory_space<vmem>>) semaphore(%arg9 : memref<!tpu.dma_semaphore, #tpu.memory_space<semaphore_mem>>)
      } else {
      }
    }
    %scan3A_42 = arith.constant 40 : i32
    %add3A_43 = arith.constant 25216 : i32
    %add3A_44 = arith.addi %mul3A_2, %add3A_43 : i32
    %dma_wait3A = arith.constant 2 : i32
    %dma_wait3A_45 = arith.constant 0 : i32
    %dma_wait3A_46 = arith.constant 0 : i32
    %dma_wait3A_47 = tpu.memref_slice %arg6[%dma_wait3A, %dma_wait3A_45, %dma_wait3A_46] : memref<5x128x128xf32, #tpu.memory_space<vmem>> -> memref<1x128x128xf32, #tpu.memory_space<vmem>>
    %dma_wait3A_48 = tpu.memref_squeeze %dma_wait3A_47 : memref<1x128x128xf32, #tpu.memory_space<vmem>> -> memref<128x128xf32, #tpu.memory_space<vmem>>
    %dma_wait3A_49 = arith.constant 0 : i32
    %dma_wait3A_50 = tpu.memref_slice %arg4[%add3A_44, %dma_wait3A_49] : memref<819200x128xf32, #tpu.memory_space<hbm>> -> memref<128x128xf32, #tpu.memory_space<hbm>>
    %dma_wait3A_51 = arith.constant 0 : i32
    %dma_wait3A_52 = tpu.memref_slice %arg4[%add3A_44, %dma_wait3A_51] : memref<819200x128xf32, #tpu.memory_space<hbm>> -> memref<128x128xf32, #tpu.memory_space<hbm>>
    %dma_wait3A_53 = arith.constant 0 : i32
    %dma_wait3A_54 = arith.constant 0 : i32
    %dma_wait3A_55 = tpu.memref_slice %arg6[%dma_wait3A, %dma_wait3A_53, %dma_wait3A_54] : memref<5x128x128xf32, #tpu.memory_space<vmem>> -> memref<1x128x128xf32, #tpu.memory_space<vmem>>
    %dma_wait3A_56 = tpu.memref_squeeze %dma_wait3A_55 : memref<1x128x128xf32, #tpu.memory_space<vmem>> -> memref<128x128xf32, #tpu.memory_space<vmem>>
    tpu.wait_dma2 semaphore(%arg14 : memref<!tpu.dma_semaphore, #tpu.memory_space<semaphore_mem>>) src(%dma_wait3A_56 : memref<128x128xf32, #tpu.memory_space<vmem>>) dst(%dma_wait3A_52 : memref<128x128xf32, #tpu.memory_space<hbm>>)
    %add3A_57 = arith.constant 25344 : i32
    %add3A_58 = arith.addi %mul3A_2, %add3A_57 : i32
    %dma_wait3A_59 = arith.constant 3 : i32
    %dma_wait3A_60 = arith.constant 0 : i32
    %dma_wait3A_61 = arith.constant 0 : i32
    %dma_wait3A_62 = tpu.memref_slice %arg6[%dma_wait3A_59, %dma_wait3A_60, %dma_wait3A_61] : memref<5x128x128xf32, #tpu.memory_space<vmem>> -> memref<1x128x128xf32, #tpu.memory_space<vmem>>
    %dma_wait3A_63 = tpu.memref_squeeze %dma_wait3A_62 : memref<1x128x128xf32, #tpu.memory_space<vmem>> -> memref<128x128xf32, #tpu.memory_space<vmem>>
    %dma_wait3A_64 = arith.constant 0 : i32
    %dma_wait3A_65 = tpu.memref_slice %arg4[%add3A_58, %dma_wait3A_64] : memref<819200x128xf32, #tpu.memory_space<hbm>> -> memref<128x128xf32, #tpu.memory_space<hbm>>
    %dma_wait3A_66 = arith.constant 0 : i32
    %dma_wait3A_67 = tpu.memref_slice %arg4[%add3A_58, %dma_wait3A_66] : memref<819200x128xf32, #tpu.memory_space<hbm>> -> memref<128x128xf32, #tpu.memory_space<hbm>>
    %dma_wait3A_68 = arith.constant 0 : i32
    %dma_wait3A_69 = arith.constant 0 : i32
    %dma_wait3A_70 = tpu.memref_slice %arg6[%dma_wait3A_59, %dma_wait3A_68, %dma_wait3A_69] : memref<5x128x128xf32, #tpu.memory_space<vmem>> -> memref<1x128x128xf32, #tpu.memory_space<vmem>>
    %dma_wait3A_71 = tpu.memref_squeeze %dma_wait3A_70 : memref<1x128x128xf32, #tpu.memory_space<vmem>> -> memref<128x128xf32, #tpu.memory_space<vmem>>
    tpu.wait_dma2 semaphore(%arg15 : memref<!tpu.dma_semaphore, #tpu.memory_space<semaphore_mem>>) src(%dma_wait3A_71 : memref<128x128xf32, #tpu.memory_space<vmem>>) dst(%dma_wait3A_67 : memref<128x128xf32, #tpu.memory_space<hbm>>)
    %add3A_72 = arith.constant 25472 : i32
    %add3A_73 = arith.addi %mul3A_2, %add3A_72 : i32
    %dma_wait3A_74 = arith.constant 4 : i32
    %dma_wait3A_75 = arith.constant 0 : i32
    %dma_wait3A_76 = arith.constant 0 : i32
    %dma_wait3A_77 = tpu.memref_slice %arg6[%dma_wait3A_74, %dma_wait3A_75, %dma_wait3A_76] : memref<5x128x128xf32, #tpu.memory_space<vmem>> -> memref<1x128x128xf32, #tpu.memory_space<vmem>>
    %dma_wait3A_78 = tpu.memref_squeeze %dma_wait3A_77 : memref<1x128x128xf32, #tpu.memory_space<vmem>> -> memref<128x128xf32, #tpu.memory_space<vmem>>
    %dma_wait3A_79 = arith.constant 0 : i32
    %dma_wait3A_80 = tpu.memref_slice %arg4[%add3A_73, %dma_wait3A_79] : memref<819200x128xf32, #tpu.memory_space<hbm>> -> memref<128x128xf32, #tpu.memory_space<hbm>>
    %dma_wait3A_81 = arith.constant 0 : i32
    %dma_wait3A_82 = tpu.memref_slice %arg4[%add3A_73, %dma_wait3A_81] : memref<819200x128xf32, #tpu.memory_space<hbm>> -> memref<128x128xf32, #tpu.memory_space<hbm>>
    %dma_wait3A_83 = arith.constant 0 : i32
    %dma_wait3A_84 = arith.constant 0 : i32
    %dma_wait3A_85 = tpu.memref_slice %arg6[%dma_wait3A_74, %dma_wait3A_83, %dma_wait3A_84] : memref<5x128x128xf32, #tpu.memory_space<vmem>> -> memref<1x128x128xf32, #tpu.memory_space<vmem>>
    %dma_wait3A_86 = tpu.memref_squeeze %dma_wait3A_85 : memref<1x128x128xf32, #tpu.memory_space<vmem>> -> memref<128x128xf32, #tpu.memory_space<vmem>>
    tpu.wait_dma2 semaphore(%arg16 : memref<!tpu.dma_semaphore, #tpu.memory_space<semaphore_mem>>) src(%dma_wait3A_86 : memref<128x128xf32, #tpu.memory_space<vmem>>) dst(%dma_wait3A_82 : memref<128x128xf32, #tpu.memory_space<hbm>>)
    return
  }
}

</mosaic_0001>

<sc_bundles>
// kernel: kernel.3.cloned.1.call-start
scs
__scs_entry_jumppad:
0x0: {  	(pc) =	sbr.rel $0x88, $3  }
0x1: {  	(tag) =	ssettag $0x0;
	lr =	simm.s32 $0x1  }
0x2: {  	[smem:$0x3F9F] =	sst lr;
	_ =	strace $0xD0000000  }
0x3: {  	_ = 	snop  }
0x4: {  	_ = 	snop  }
0x5: {  	_ = 	snop  }
0x6: {  	_ = 	snop  }
0x7: {  	_ = 	snop  }
__scs_overlays_trampoline_lowered:
0x8: {  	[smem:$0x3FAE] =	sst s0  }
0x9: {  	[smem:$0x3FAF] =	sst s1  }
0xa: {  	[smem:$0x3FB0] =	sst s2  }
0xb: {  	[smem:$0x3FB1] =	sst s3  }
0xc: {  	[smem:$0x3FB2] =	sst s4  }
0xd: {  	[smem:$0x3FB3] =	sst s5  }
0xe: {  	[smem:$0x3FB4] =	sst s6  }
0xf: {  	[smem:$0x3FB5] =	sst s7  }
0x10: {  	[smem:$0x3FB6] =	sst s8  }
0x11: {  	[smem:$0x3FB7] =	sst s9;
	s0 =	simm.s32 @!p0 $0x0  }
0x12: {  	s1 =	sld [smem:$0x3F9D];
	s0 =	simm.s32 @p0 $0x1  }
0x13: {  	[smem:$0x3FB8] =	sst s0;
	s0 =	simm.s32 @!p1 $0x0  }
0x14: {  	s2 =	sld [smem:$0x3F9C];
	s0 =	simm.s32 @p1 $0x1  }
0x15: {  	[smem:$0x3FB9] =	sst s0;
	s0 =	simm.s32 @!p2 $0x0  }
0x16: {  	s3 =	sld [smem:$0x3FDB];
	s0 =	simm.s32 @p2 $0x1  }
0x17: {  	s4 =	simm.s32 $0x1BF5;
	[smem:$0x3FBB] =	sst s0  }
0x18: {  	s0 =	sld [smem:$0x3F9E];
	_ =	swait.ge [sflag:s4], $0x0  }
0x19: {  	s7 =	sld [smem:$0x3F9F]  }
0x1a: {  	s8 =	sadd.s32 $0xFFFFE003, lr  }
0x1b: {  	s9 =	sadd.s32 $0xFFFFFEF7, lr;
	s5 =	simm.s32 $0xFFFFFFFF;
	p2 =	slt.u32 s8, $0xFFFFF086  }
0x1c: {  	p1 =	slt.u32 s9, $0xF7A;
	s5 =	simm.s32 @!p2 $0x0  }
0x1d: {  	s5 =	simm.s32 @p1 $0x1;
	p0 =	seq.s32 s7, s2  }
0x1e: {  	s7 =	smul.u32 @!p0 $0xF7A, s2;
	p2 =	seq.s32 @!p0 s5, $0x0  }
0x1f: {  	s9 =	smul.u32 $0xF7A, s1;
	s8 =	simm.s32 @!p0 $0x1BF5;
	p2 =	por !p2, p0  }
0x20: {  	[sflag:s8] =	ssyncset.s32 @!p0 $0xFFFFF086;
	s6 =	sadd.s32 @!p0 s3, s7;
	s7 =	simm.s32 @!p0 $0x108  }
0x21: {  	s3 =	sadd.s32 s3, s9;
	s6 =	sadd.s32 @!p0 $0x88, s6;
	s7 =	simm.s32 @p2 $0x1082  }
0x22: {  	[simem:s7], [sflag:s8] =	dma.local @!p0 [hbm:s6], $0xF7A  }
0x23: {  	s9 =	sor.u32 $0xD0000000, s2;
	s6 =	simm.s32 $0x108;
	_ =	swait.ge @!p0 [sflag:s8], $0x0  }
0x24: {  	s3 =	sadd.s32 $0x88, s3;
	s6 =	simm.s32 @!p1 $0x1082;
	[sflag:s4] =	ssyncset.s32 $0xFFFFF086  }
0x25: {  	[simem:s6], [sflag:s4] =	dma.local [hbm:s3], $0xF7A  }
0x26: {  	[smem:$0x3F9F] =	sst s1;
	(tag) =	ssettag s2;
	_ =	strace s9  }
0x27: {  	s1 =	sld [smem:$0x3FAF]  }
0x28: {  	s2 =	sld [smem:$0x3FB0]  }
0x29: {  	s4 =	sld [smem:$0x3FB2]  }
0x2a: {  	p0 =	seq.s32 s5, $0x0;
	s5 =	sld [smem:$0x3FB3]  }
0x2b: {  	s6 =	sld [smem:$0x3FB4]  }
0x2c: {  	s7 =	sld [smem:$0x3FB5]  }
0x2d: {  	s3 =	simm.s32 $0x108;
	s8 =	sld [smem:$0x3FB6]  }
0x2e: {  	s3 =	simm.s32 @!p0 $0x1082;
	s9 =	sld [smem:$0x3FB7]  }
0x2f: {  	lr =	sadd.s32 s0, s3;
	s0 =	sld [smem:$0x3FAE]  }
0x30: {  	s3 =	sld [smem:$0x3FB1]  }
0x31: {  	[smem:$0x3FBA] =	sst s10  }
0x32: {  	s10 =	sld [smem:$0x3FB8];
	_ =	sdelay $0x3  }
0x33: {  	p0 =	seq.s32 s10, $0x1;
	s10 =	sld [smem:$0x3FBA];
	_ =	sdelay $0x3  }
0x34: {  	[smem:$0x3FBA] =	sst s10  }
0x35: {  	s10 =	sld [smem:$0x3FB9];
	_ =	sdelay $0x3  }
0x36: {  	p1 =	seq.s32 s10, $0x1;
	s10 =	sld [smem:$0x3FBA];
	_ =	sdelay $0x3  }
0x37: {  	[smem:$0x3FBA] =	sst s10  }
0x38: {  	s10 =	sld [smem:$0x3FBB]  }
0x39: {  	_ = 	snop;
	(pc) =	sbr.ind lr, $3  }
0x3a: {  	_ = 	snop  }
0x3b: {  	_ = 	snop  }
0x3c: {  	p2 =	seq.s32 s10, $0x1;
	s10 =	sld [smem:$0x3FBA]  }
0x3d: {  	_ =	shalt  }
0x3e: {  	_ =	shalt  }
0x3f: {  	_ =	shalt  }
0x40: {  	_ =	shalt  }
0x41: {  	_ =	shalt  }
0x42: {  	_ =	shalt  }
0x43: {  	_ =	shalt  }
0x44: {  	_ =	shalt  }
0x45: {  	_ =	shalt  }
0x46: {  	_ =	shalt  }
0x47: {  	_ =	shalt  }
0x48: {  	_ =	shalt  }
0x49: {  	_ =	shalt  }
0x4a: {  	_ =	shalt  }
0x4b: {  	_ =	shalt  }
0x4c: {  	_ =	shalt  }
0x4d: {  	_ =	shalt  }
0x4e: {  	_ =	shalt  }
0x4f: {  	_ =	shalt  }
0x50: {  	_ =	shalt  }
0x51: {  	_ =	shalt  }
0x52: {  	_ =	shalt  }
0x53: {  	_ =	shalt  }
0x54: {  	_ =	shalt  }
0x55: {  	_ =	shalt  }
0x56: {  	_ =	shalt  }
0x57: {  	_ =	shalt  }
0x58: {  	_ =	shalt  }
0x59: {  	_ =	shalt  }
0x5a: {  	_ =	shalt  }
0x5b: {  	_ =	shalt  }
0x5c: {  	_ =	shalt  }
0x5d: {  	_ =	shalt  }
0x5e: {  	_ =	shalt  }
0x5f: {  	_ =	shalt  }
0x60: {  	_ =	shalt  }
0x61: {  	_ =	shalt  }
0x62: {  	_ =	shalt  }
0x63: {  	_ =	shalt  }
0x64: {  	_ =	shalt  }
0x65: {  	_ =	shalt  }
0x66: {  	_ =	shalt  }
0x67: {  	_ =	shalt  }
0x68: {  	_ =	shalt  }
0x69: {  	_ =	shalt  }
0x6a: {  	_ =	shalt  }
0x6b: {  	_ =	shalt  }
0x6c: {  	_ =	shalt  }
0x6d: {  	_ =	shalt  }
0x6e: {  	_ =	shalt  }
0x6f: {  	_ =	shalt  }
0x70: {  	_ =	shalt  }
0x71: {  	_ =	shalt  }
0x72: {  	_ =	shalt  }
0x73: {  	_ =	shalt  }
0x74: {  	_ =	shalt  }
0x75: {  	_ =	shalt  }
0x76: {  	_ =	shalt  }
0x77: {  	_ =	shalt  }
0x78: {  	_ =	shalt  }
0x79: {  	_ =	shalt  }
0x7a: {  	_ =	shalt  }
0x7b: {  	_ =	shalt  }
0x7c: {  	_ =	shalt  }
0x7d: {  	_ =	shalt  }
0x7e: {  	_ =	shalt  }
0x7f: {  	_ =	shalt  }
0x80: {  	_ =	shalt  }
0x81: {  	_ =	shalt  }
0x82: {  	_ =	shalt  }
0x83: {  	_ =	shalt  }
0x84: {  	_ =	shalt  }
0x85: {  	_ =	shalt  }
0x86: {  	_ =	shalt  }
0x87: {  	_ =	shalt  }
.Lfunc_end0:
.L_simem_size_0:
called_computation_lowered:
.L_overlay_start_0:
0x88: {  	s2 =	sld [smem:$0x3FD9]  }
0x89: {  	s3 =	sld [smem:$0x3FFE];
	_ =	sdelay $0x1  }
0x8a: {  	s1 =	srdreg.scid  }
0x8b: {  	s0 =	sand.u32 $0x1, s1  }
0x8c: {  	s17 =	sshll.u32 s0, $0xA;
	s2 =	sadd.s32 s3, s2  }
0x8d: {  	s2 =	sadd.s32 s2, s17  }
0x8e: {  	[smem:$0x3FC6] =	sst s2  }
0x8f: {  	_ = 	snop  }
0x90: {  	s2 =	sld [smem:$0x3FC8]  }
0x91: {  	s18 =	sld [smem:$0x3FD0];
	(tm) =	ssettm $0x1  }
0x92: {  	s4 =	sld [smem:$0x3FFB];
	_ =	sdelay $0x3  }
0x93: {  	_ =	strace s4  }
0x94: {  	s4 =	sld [smem:$0x3FFC];
	_ =	sdelay $0x3  }
0x95: {  	_ =	strace s4  }
0x96: {  	s4 =	sld [smem:$0x3FFD];
	_ =	sdelay $0x3  }
0x97: {  	_ =	strace s4  }
0x98: {  	_ =	strace $0x8FFFFFFF  }
0x99: {  	s19 =	sld [smem:$0x3FDB];
	_ =	sdelay $0x1  }
0x9a: {  	s5 =	simm.s32 $_scs_section_size  }
0x9b: {  	s6 =	simm.s32 $_size__tile_overlayer_lowered;
	s7 =	simm.s32 $_tile_overlayer_lowered  }
0x9c: {  	s22 =	simm.s32 $0x1BFF;
	s21 =	sshll.u32 s7, $0x1;
	s4 =	sadd.s32 s5, s19  }
0x9d: {  	s8 =	simm.s32 $0x0;
	s20 =	sshll.u32 s6, $0x1;
	s6 =	sadd.s32 s21, s4  }
0x9e: {  	[timem:s8], [sflag:s22] =	dma.local [hbm:s6], s20  }
0x9f: {  	_ =	swait.ge [sflag:s22], s20  }
0xa0: {  	s5 =	ssub.s32 $0x0, s20;
	[sflag:s22] =	ssyncset.done $0x0  }
0xa1: {  	[sflag:s22] =	ssyncadd.s32 s5;
	_ =	sdelay $0x1  }
0xa2: {  	s23 =	simm.s32 $0x1B8B  }
0xa3: {  	_ =	swait.ge [sflag:s23], $0x1  }
0xa4: {  	[sflag:s23] =	ssyncset.done $0x0  }
0xa5: {  	s25 =	simm.s32 $0x1B8E;
	s24 =	sld [smem:$0x3FFE];
	[sflag:s23] =	ssyncadd.s32 $0xFFFFFFFF  }
0xa6: {  	s26 =	simm.s32 $execute0_lowered;
	[smem:$0x3FD2] =	sst s25  }
0xa7: {  	s6 =	sshll.u32 s26, $0x1;
	_ =	strace $0x80000046;
	[dreg:$0x1] =	wrdreg $0xFFFFFFFF  }
0xa8: {  	s28 =	simm.s32 $_size_execute0_lowered;
	s4 =	sadd.s32 s4, s6;
	[dreg:$0x0] =	wrdreg $0x0  }
0xa9: {  	s6 =	sshll.u32 s28, $0x1;
	[dreg:$0x2] =	wrdreg s4  }
0xaa: {  	[dreg:$0x3] =	wrdreg s6  }
0xab: {  	[dreg:$0x4] =	wrdreg $0xC0  }
0xac: {  	_ =	task [dreg:s8], $0x5FFFF  }
0xad: {  	[dreg:$0x1] =	wrdreg $0xFFFFFFFF  }
0xae: {  	[dreg:$0x0] =	wrdreg $0x60  }
0xaf: {  	[dreg:$0x2] =	wrdreg s24  }
0xb0: {  	[dreg:$0x3] =	wrdreg s2  }
0xb1: {  	[dreg:$0x4] =	wrdreg s18  }
0xb2: {  	[dreg:$0x5] =	wrdreg $0x9  }
0xb3: {  	_ =	task.clear_ibuf [dreg:s8], $0x6FFFF;
	_ =	strace $0x90000046  }
0xb4: {  	s29 =	simm.s32 $0x9;
	_ =	strace $0x80000048  }
0xb5: {  	_ =	swait.ge [sflag:s29], $0x1  }
0xb6: {  	[sflag:s29] =	ssyncadd.s32 $0xFFFFFFFF  }
0xb7: {  	_ =	strace $0x90000048  }
0xb8: {  	_ =	sfence  }
0xb9: {  	s30 =	sld [smem:$0x0];
	_ =	sdelay $0x2  }
0xba: {  	s31 =	sshll.u32 s1, $0xD;
	s1 =	sshrl.u32 s1, $0x2  }
0xbb: {  	s3 =	sand.u32 $0x4000, s31;
	s1 =	sadd.s32 s1, s30  }
0xbc: {  	s0 =	sor.u32 s3, s0;
	s1 =	sshll.u32 s1, $0x11  }
0xbd: {  	s0 =	sor.u32 s1, s0  }
0xbe: {  	s0 =	sadd.s32 $0x8F2B, s0  }
0xbf: {  	[sflag:s0] =	ssyncadd.remote.s32 $0x1  }
0xc0: {  	_ =	sfence.sel $0xFFFF  }
0xc1: {  	[dreg:$0x0] =	wrdreg $0xFFFFFFFF;
	(pc) =	sbr.abs _section_cstart, $3  }
0xc2: {  	[dreg:$0x1] =	wrdreg $0xFFFFFFFF  }
0xc3: {  	_ =	task.clear_ibuf [dreg:s8], $0x2FFFF;
	_ =	strace $0x9FFFFFFF  }
0xc4: {  	(tm) =	ssettm $0x7FFFFFFF  }
0xc5: {  	_ =	shalt  }
tec
execute0_lowered:
.L_overlay_start_1:
0x0: {  	(tag) =	ssettag $0x1  }
0x1: {  	s0 =	srdreg.scid  }
0x2: {  	s2 =	stileid.u32;
	s1 =	rddreg [dreg:$0x0];
	s5 =	simm.s32 $0x0  }
0x3: {  	s11 =	simm.s32 $0xB;
	s12 =	simm.s32 $0x80;
	s13 =	simm.s32 $0x6400  }
0x4: {  	s14 =	simm.s32 $0xA400;
	s16 =	simm.s32 $0xE400;
	s17 =	simm.s32 $0x1  }
0x5: {  	s18 =	simm.s32 $0x12400;
	s19 =	simm.s32 $0x2;
	s20 =	simm.s32 $0x16400  }
0x6: {  	s21 =	simm.s32 $0x3;
	s22 =	simm.s32 $0x4;
	s23 =	simm.s32 $0x5  }
0x7: {  	s24 =	simm.s32 $0x8;
	s0 =	sand.u32 $0x1, s0;
	s3 =	sshll.u32 s2, $0x1  }
0x8: {  	s25 =	simm.s32 $0x9;
	s2 =	rddreg [dreg:$0x1];
	s6 =	sor.u32 s0, s3  }
0x9: {  	s26 =	simm.s32 $0xA;
	[smem:$0x7FF] =	sst s5;
	s4 =	smul.u32 $0x6400, s6  }
.Ltmp0:
0xa: {  	s28 =	simm.s32 $0x0;
	s3 =	rddreg [dreg:$0x2];
	(pc) =	sbr.rel .LBB2_1-.Ltmp0, $4  }
0xb: {  	s0 =	ssub.s32 $0x2, s0;
	_ =	strace $0x80000047;
	s7 =	sshrl.u32 s4, $0x3  }
0xc: {  	s31 =	sshrl.u32 s0, $0x1;
	s9 =	smul.u32 $0x320000, s6;
	s1 =	sadd.s32 s7, s1  }
0xd: {  	s0 =	ssub.s32 s0, s31;
	s8 =	sor.u32 $0x100, s4;
	s1 =	sadd.s32 $0x400, s1  }
0xe: {  	s10 =	smax.u32 s0, $0x1;
	s7 =	sor.u32 $0x80, s4;
	[dreg:$0x4] =	wrdreg s1  }
.LBB2_14:
0xf: {  	s28 =	sadd.s32 $0x1, s28  }
0x10: {  	_ =	swait.ge [sflag:s25], $0x4000;
	p0 =	sne.s32 s28, s10  }
.Ltmp1:
0x11: {  	[sflag:s25] =	ssyncset.done $0x0;
	(pc) =	sbr.rel @!p0 .LBB2_15-.Ltmp1, $4  }
0x12: {  	[sflag:s25] =	ssyncadd.s32 $0xFFFFC000  }
0x13: {  	_ =	swait.ge [sflag:s26], $0x4000  }
0x14: {  	[sflag:s26] =	ssyncset.done $0x0  }
0x15: {  	[sflag:s26] =	ssyncadd.s32 $0xFFFFC000  }
.LBB2_1:
0x16: {  	s0 =	rddreg [dreg:$0x4]  }
0x17: {  	[tilespmem:s5], [sflag:$0xB] =	stream.linear.gather [hbm4b:s0+s5], $0x6400, $0x38;
	[tilespmem:$0x1A400] =	vst v63  }
0x18: {  	_ =	swait.ge [sflag:s11], $0x6400  }
0x19: {  	[sflag:s11] =	ssyncset.done $0x0  }
0x1a: {  	[sflag:s11] =	ssyncadd.s32 $0xFFFF9C00  }
0x1b: {  	[tilespmem:s13], [sflag:$0x1] =	stream.indirect.gather [hbm4b:s2+s12], $0x80, s5, s12, $0xb8;
	[tilespmem:$0x1A400] =	vst v63  }
0x1c: {  	_ = 	snop  }
0x1d: {  	[tilespmem:s14], [sflag:$0x2] =	stream.indirect.gather [hbm4b:s2+s12], $0x80, s12, s12, $0xb8;
	[tilespmem:$0x1A400] =	vst v63  }
0x1e: {  	s31 =	simm.s32 $0x100;
	s29 =	simm.s32 $0x0  }
0x1f: {  	[tilespmem:s16], [sflag:$0x3] =	stream.indirect.gather [hbm4b:s2+s12], $0x80, s31, s12, $0xb8;
	[tilespmem:$0x1A400] =	vst v63  }
.LBB2_2:
0x20: {  	_ =	swait.ge [sflag:s17], $0x4000  }
0x21: {  	[sflag:s17] =	ssyncset.done $0x0  }
0x22: {  	s30 =	simm.s32 $0x6480;
	[sflag:s17] =	ssyncadd.s32 $0xFFFFC000  }
0x23: {  	v0 =	vld [tilespmem:s30+$0x70]  }
0x24: {  	v1 =	vld [tilespmem:s30+$0xFFFFFF90]  }
0x25: {  	v2 =	vld [tilespmem:s30+$0xFFFFFFA0]  }
0x26: {  	v3 =	vld [tilespmem:s30+$0xFFFFFFB0]  }
0x27: {  	v4 =	vld [tilespmem:s30+$0xFFFFFFC0]  }
0x28: {  	v5 =	vld [tilespmem:s30+$0xFFFFFFD0];
	v0 =	vmul.f32 $1.131370830e+01, v0  }
0x29: {  	v6 =	vld [tilespmem:s30+$0xFFFFFFE0];
	v1 =	vmul.f32 $1.131370830e+01, v1  }
0x2a: {  	v7 =	vld [tilespmem:s30+$0xFFFFFFF0];
	v2 =	vmul.f32 $1.131370830e+01, v2;
	[tilespmem:s30+$0x70] =	vst v0  }
0x2b: {  	[tilespmem:s30+$0xFFFFFF90] =	vst v1;
	v0 =	vmul.f32 $1.131370830e+01, v3;
	v3 =	vld [tilespmem:s30+$0x0]  }
0x2c: {  	[tilespmem:s30+$0xFFFFFFA0] =	vst v2;
	v1 =	vmul.f32 $1.131370830e+01, v4;
	v4 =	vld [tilespmem:s30+$0x10]  }
0x2d: {  	v8 =	vld [tilespmem:s30+$0x20];
	v2 =	vmul.f32 $1.131370830e+01, v5;
	[tilespmem:s30+$0xFFFFFFB0] =	vst v0  }
0x2e: {  	v5 =	vmul.f32 $1.131370830e+01, v6;
	[tilespmem:s30+$0xFFFFFFC0] =	vst v1;
	v0 =	vld [tilespmem:s30+$0x30]  }
0x2f: {  	[tilespmem:s30+$0xFFFFFFD0] =	vst v2;
	v2 =	vmul.f32 $1.131370830e+01, v7;
	v1 =	vld [tilespmem:s30+$0x40]  }
0x30: {  	[tilespmem:s30+$0xFFFFFFE0] =	vst v5;
	v6 =	vmul.f32 $1.131370830e+01, v3;
	v3 =	vld [tilespmem:s30+$0x50]  }
0x31: {  	[tilespmem:s30+$0xFFFFFFF0] =	vst v2;
	v2 =	vld [tilespmem:s30+$0x60];
	v5 =	vmul.f32 $1.131370830e+01, v4  }
0x32: {  	s0 =	simm.s32 $0x0;
	s1 =	simm.s32 $0x6580;
	v4 =	vld [tilespmem:s30+$0xFFFFFF80];
	[tilespmem:s30+$0x0] =	vst v6;
	v6 =	vmul.f32 $1.131370830e+01, v8  }
.LBB2_3:
0x33: {  	v7 =	vld [tilespmem:s1+$0x70];
	s0 =	sadd.s32 $0x2, s0;
	[tilespmem:s30+$0x10] =	vst v5;
	v0 =	vmul.f32 $1.131370830e+01, v0  }
0x34: {  	v5 =	vld [tilespmem:s1+$0xFFFFFF90];
	p0 =	slt.u32 s0, $0x7E;
	[tilespmem:s30+$0x20] =	vst v6;
	v1 =	vmul.f32 $1.131370830e+01, v1  }
0x35: {  	v6 =	vld [tilespmem:s1+$0xFFFFFFA0];
	[tilespmem:s30+$0x30] =	vst v0;
	v0 =	vmul.f32 $1.131370830e+01, v3  }
0x36: {  	v3 =	vld [tilespmem:s1+$0xFFFFFFB0];
	[tilespmem:s30+$0x40] =	vst v1;
	v1 =	vmul.f32 $1.131370830e+01, v2  }
0x37: {  	v2 =	vld [tilespmem:s1+$0xFFFFFFC0];
	v4 =	vmul.f32 $1.131370830e+01, v4;
	[tilespmem:s30+$0x50] =	vst v0  }
0x38: {  	v0 =	vld [tilespmem:s1+$0xFFFFFFD0];
	v7 =	vmul.f32 $1.131370830e+01, v7;
	[tilespmem:s30+$0x60] =	vst v1  }
0x39: {  	v1 =	vmul.f32 $1.131370830e+01, v5;
	v5 =	vld [tilespmem:s1+$0xFFFFFFE0];
	[tilespmem:s30+$0xFFFFFF80] =	vst v4;
	s30 =	smov.u32 s1  }
0x3a: {  	v4 =	vmul.f32 $1.131370830e+01, v6;
	v6 =	vld [tilespmem:s1+$0xFFFFFFF0];
	[tilespmem:s1+$0x70] =	vst v7  }
0x3b: {  	[tilespmem:s1+$0xFFFFFF90] =	vst v1;
	v1 =	vmul.f32 $1.131370830e+01, v3;
	v3 =	vld [tilespmem:s1+$0x0]  }
0x3c: {  	[tilespmem:s1+$0xFFFFFFA0] =	vst v4;
	v2 =	vmul.f32 $1.131370830e+01, v2;
	v4 =	vld [tilespmem:s1+$0x10]  }
0x3d: {  	[tilespmem:s1+$0xFFFFFFB0] =	vst v1;
	v1 =	vmul.f32 $1.131370830e+01, v0;
	v7 =	vld [tilespmem:s1+$0x20]  }
.Ltmp2:
0x3e: {  	[tilespmem:s1+$0xFFFFFFC0] =	vst v2;
	v2 =	vmul.f32 $1.131370830e+01, v5;
	v0 =	vld [tilespmem:s1+$0x30];
	(pc) =	sbr.rel @p0 .LBB2_3-.Ltmp2, $4  }
0x3f: {  	[tilespmem:s1+$0xFFFFFFD0] =	vst v1;
	v5 =	vmul.f32 $1.131370830e+01, v6;
	v1 =	vld [tilespmem:s1+$0x40]  }
0x40: {  	[tilespmem:s1+$0xFFFFFFE0] =	vst v2;
	v6 =	vmul.f32 $1.131370830e+01, v3;
	v3 =	vld [tilespmem:s1+$0x50]  }
0x41: {  	[tilespmem:s1+$0xFFFFFFF0] =	vst v5;
	v5 =	vmul.f32 $1.131370830e+01, v4;
	v2 =	vld [tilespmem:s1+$0x60]  }
0x42: {  	s1 =	sadd.s32 $0x100, s1;
	v4 =	vld [tilespmem:s30+$0xFFFFFF80];
	[tilespmem:s30+$0x0] =	vst v6;
	v6 =	vmul.f32 $1.131370830e+01, v7  }
0x43: {  	[tilespmem:s30+$0x10] =	vst v5;
	v0 =	vmul.f32 $1.131370830e+01, v0  }
0x44: {  	[tilespmem:s30+$0x20] =	vst v6;
	v1 =	vmul.f32 $1.131370830e+01, v1  }
0x45: {  	s1 =	smul.u32 $0x280, s29;
	[tilespmem:s30+$0x30] =	vst v0;
	v0 =	vmul.f32 $1.131370830e+01, v3  }
0x46: {  	s31 =	smul.u32 $0x5, s29;
	[tilespmem:s30+$0x40] =	vst v1;
	v1 =	vmul.f32 $1.131370830e+01, v2  }
0x47: {  	s0 =	sadd.s32 s4, s1;
	v2 =	vmul.f32 $1.131370830e+01, v4;
	[tilespmem:s30+$0x50] =	vst v0  }
0x48: {  	s6 =	sadd.s32 $0xFFFFFFFE, s31;
	s0 =	sshll.u32 s0, $0x4;
	[tilespmem:s30+$0x60] =	vst v1  }
0x49: {  	p0 =	sgt.u32 s6, $0xC2;
	s0 =	sadd.s32 s3, s0;
	[tilespmem:s30+$0xFFFFFF80] =	vst v2  }
0x4a: {  	[hbm4b:s0+s5] =	stream.linear.scatter [tilespmem:s13], [sflag:$0x6], $0x4000, $0x38;
	[tilespmem:$0x1A400] =	vst v63  }
0x4b: {  	s0 =	simm.s32 @!p0 $0x9  }
0x4c: {  	s30 =	sadd.s32 $0x3, s31;
	_ =	swait.ge @!p0 [sflag:s0], $0x4000  }
0x4d: {  	s6 =	sshll.u32 s30, $0x7;
	[sflag:s0] =	ssyncset.done @!p0 $0x0  }
0x4e: {  	s15 =	sand.u32 $0x3FFFFF80, s6;
	[sflag:s0] =	ssyncadd.s32 @!p0 $0xFFFFC000  }
0x4f: {  	[tilespmem:s18], [sflag:$0x4] =	stream.indirect.gather [hbm4b:s2+s12], $0x80, s15, s12, $0xb8;
	[tilespmem:$0x1A400] =	vst v63  }
0x50: {  	_ =	swait.ge [sflag:s19], $0x4000  }
0x51: {  	[sflag:s19] =	ssyncset.done $0x0  }
0x52: {  	s0 =	simm.s32 $0xA400;
	[sflag:s19] =	ssyncadd.s32 $0xFFFFC000  }
0x53: {  	v0 =	vld [tilespmem:s0+$0xF0]  }
0x54: {  	v1 =	vld [tilespmem:s0+$0x10]  }
0x55: {  	v2 =	vld [tilespmem:s0+$0x20]  }
0x56: {  	v3 =	vld [tilespmem:s0+$0x30]  }
0x57: {  	v4 =	vld [tilespmem:s0+$0x40]  }
0x58: {  	v5 =	vld [tilespmem:s0+$0x50];
	v0 =	vmul.f32 $1.131370830e+01, v0  }
0x59: {  	v6 =	vld [tilespmem:s0+$0x60];
	v1 =	vmul.f32 $1.131370830e+01, v1  }
0x5a: {  	v7 =	vld [tilespmem:s0+$0x70];
	v2 =	vmul.f32 $1.131370830e+01, v2;
	[tilespmem:s0+$0xF0] =	vst v0  }
0x5b: {  	[tilespmem:s0+$0x10] =	vst v1;
	v0 =	vmul.f32 $1.131370830e+01, v3;
	v3 =	vld [tilespmem:s0+$0x80]  }
0x5c: {  	[tilespmem:s0+$0x20] =	vst v2;
	v1 =	vmul.f32 $1.131370830e+01, v4;
	v4 =	vld [tilespmem:s0+$0x90]  }
0x5d: {  	v8 =	vld [tilespmem:s0+$0xA0];
	v2 =	vmul.f32 $1.131370830e+01, v5;
	[tilespmem:s0+$0x30] =	vst v0  }
0x5e: {  	v5 =	vmul.f32 $1.131370830e+01, v6;
	[tilespmem:s0+$0x40] =	vst v1;
	v0 =	vld [tilespmem:s0+$0xB0]  }
0x5f: {  	v6 =	vmul.f32 $1.131370830e+01, v7;
	[tilespmem:s0+$0x50] =	vst v2;
	v1 =	vld [tilespmem:s0+$0xC0]  }
0x60: {  	[tilespmem:s0+$0x60] =	vst v5;
	v2 =	vld [tilespmem:s0+$0xD0];
	v7 =	vmul.f32 $1.131370830e+01, v3  }
0x61: {  	[tilespmem:s0+$0x70] =	vst v6;
	v3 =	vld [tilespmem:s0+$0xE0];
	v5 =	vmul.f32 $1.131370830e+01, v4  }
0x62: {  	s6 =	simm.s32 $0xA500;
	s15 =	simm.s32 $0x0;
	v6 =	vmul.f32 $1.131370830e+01, v8;
	v4 =	vld [tilespmem:s0+$0x0];
	[tilespmem:s0+$0x80] =	vst v7  }
.LBB2_5:
0x63: {  	v7 =	vld [tilespmem:s6+$0xF0];
	s15 =	sadd.s32 $0x2, s15;
	[tilespmem:s0+$0x90] =	vst v5;
	v0 =	vmul.f32 $1.131370830e+01, v0  }
0x64: {  	v5 =	vld [tilespmem:s6+$0x10];
	p0 =	slt.u32 s15, $0x7E;
	[tilespmem:s0+$0xA0] =	vst v6;
	v1 =	vmul.f32 $1.131370830e+01, v1  }
0x65: {  	v6 =	vld [tilespmem:s6+$0x20];
	[tilespmem:s0+$0xB0] =	vst v0;
	v0 =	vmul.f32 $1.131370830e+01, v2  }
0x66: {  	v2 =	vld [tilespmem:s6+$0x30];
	[tilespmem:s0+$0xC0] =	vst v1;
	v1 =	vmul.f32 $1.131370830e+01, v3  }
0x67: {  	v3 =	vld [tilespmem:s6+$0x40];
	v4 =	vmul.f32 $1.131370830e+01, v4;
	[tilespmem:s0+$0xD0] =	vst v0  }
0x68: {  	v0 =	vld [tilespmem:s6+$0x50];
	v7 =	vmul.f32 $1.131370830e+01, v7;
	[tilespmem:s0+$0xE0] =	vst v1  }
0x69: {  	v1 =	vmul.f32 $1.131370830e+01, v5;
	v5 =	vld [tilespmem:s6+$0x60];
	[tilespmem:s0+$0x0] =	vst v4;
	s0 =	smov.u32 s6  }
0x6a: {  	v4 =	vmul.f32 $1.131370830e+01, v6;
	v6 =	vld [tilespmem:s6+$0x70];
	[tilespmem:s6+$0xF0] =	vst v7  }
0x6b: {  	[tilespmem:s6+$0x10] =	vst v1;
	v1 =	vmul.f32 $1.131370830e+01, v2;
	v2 =	vld [tilespmem:s6+$0x80]  }
0x6c: {  	[tilespmem:s6+$0x20] =	vst v4;
	v3 =	vmul.f32 $1.131370830e+01, v3;
	v4 =	vld [tilespmem:s6+$0x90]  }
0x6d: {  	[tilespmem:s6+$0x30] =	vst v1;
	v1 =	vmul.f32 $1.131370830e+01, v0;
	v7 =	vld [tilespmem:s6+$0xA0]  }
.Ltmp3:
0x6e: {  	[tilespmem:s6+$0x40] =	vst v3;
	v3 =	vmul.f32 $1.131370830e+01, v5;
	v0 =	vld [tilespmem:s6+$0xB0];
	(pc) =	sbr.rel @p0 .LBB2_5-.Ltmp3, $4  }
0x6f: {  	[tilespmem:s6+$0x50] =	vst v1;
	v5 =	vmul.f32 $1.131370830e+01, v6;
	v1 =	vld [tilespmem:s6+$0xC0]  }
0x70: {  	[tilespmem:s6+$0x60] =	vst v3;
	v6 =	vmul.f32 $1.131370830e+01, v2;
	v2 =	vld [tilespmem:s6+$0xD0]  }
0x71: {  	[tilespmem:s6+$0x70] =	vst v5;
	v5 =	vmul.f32 $1.131370830e+01, v4;
	v3 =	vld [tilespmem:s6+$0xE0]  }
0x72: {  	s6 =	sadd.s32 $0x100, s6;
	v4 =	vld [tilespmem:s0+$0x0];
	[tilespmem:s0+$0x80] =	vst v6;
	v6 =	vmul.f32 $1.131370830e+01, v7  }
0x73: {  	[tilespmem:s0+$0x90] =	vst v5;
	v0 =	vmul.f32 $1.131370830e+01, v0  }
0x74: {  	[tilespmem:s0+$0xA0] =	vst v6;
	v1 =	vmul.f32 $1.131370830e+01, v1  }
0x75: {  	s6 =	sadd.s32 s1, s7;
	[tilespmem:s0+$0xB0] =	vst v0;
	v0 =	vmul.f32 $1.131370830e+01, v2  }
0x76: {  	s6 =	sshll.u32 s6, $0x4;
	[tilespmem:s0+$0xC0] =	vst v1;
	v1 =	vmul.f32 $1.131370830e+01, v3  }
0x77: {  	s15 =	sadd.s32 s3, s6;
	s6 =	sadd.s32 $0xFFFFFFFF, s31;
	v2 =	vmul.f32 $1.131370830e+01, v4;
	[tilespmem:s0+$0xD0] =	vst v0  }
0x78: {  	p0 =	sgt.u32 s6, $0xC2;
	[tilespmem:s0+$0xE0] =	vst v1  }
0x79: {  	[tilespmem:s0+$0x0] =	vst v2;
	s0 =	simm.s32 @!p0 $0xA  }
0x7a: {  	[hbm4b:s15+s5] =	stream.linear.scatter [tilespmem:s14], [sflag:$0x7], $0x4000, $0x38;
	[tilespmem:$0x1A400] =	vst v63  }
0x7b: {  	s31 =	sadd.s32 $0x4, s31;
	_ =	swait.ge @!p0 [sflag:s0], $0x4000  }
0x7c: {  	s15 =	sshll.u32 s31, $0x7;
	[sflag:s0] =	ssyncset.done @!p0 $0x0  }
0x7d: {  	s15 =	sand.u32 $0x3FFFFF80, s15;
	[sflag:s0] =	ssyncadd.s32 @!p0 $0xFFFFC000  }
0x7e: {  	[tilespmem:s20], [sflag:$0x5] =	stream.indirect.gather [hbm4b:s2+s12], $0x80, s15, s12, $0xb8;
	[tilespmem:$0x1A400] =	vst v63  }
0x7f: {  	_ =	swait.ge [sflag:s21], $0x4000  }
0x80: {  	[sflag:s21] =	ssyncset.done $0x0  }
0x81: {  	s0 =	simm.s32 $0xE400;
	[sflag:s21] =	ssyncadd.s32 $0xFFFFC000  }
0x82: {  	v0 =	vld [tilespmem:s0+$0xF0]  }
0x83: {  	v1 =	vld [tilespmem:s0+$0x10]  }
0x84: {  	v2 =	vld [tilespmem:s0+$0x20]  }
0x85: {  	v3 =	vld [tilespmem:s0+$0x30]  }
0x86: {  	v4 =	vld [tilespmem:s0+$0x40]  }
0x87: {  	v5 =	vld [tilespmem:s0+$0x50];
	v0 =	vmul.f32 $1.131370830e+01, v0  }
0x88: {  	v6 =	vld [tilespmem:s0+$0x60];
	v1 =	vmul.f32 $1.131370830e+01, v1  }
0x89: {  	v7 =	vld [tilespmem:s0+$0x70];
	v2 =	vmul.f32 $1.131370830e+01, v2;
	[tilespmem:s0+$0xF0] =	vst v0  }
0x8a: {  	[tilespmem:s0+$0x10] =	vst v1;
	v0 =	vmul.f32 $1.131370830e+01, v3;
	v3 =	vld [tilespmem:s0+$0x80]  }
0x8b: {  	[tilespmem:s0+$0x20] =	vst v2;
	v1 =	vmul.f32 $1.131370830e+01, v4;
	v4 =	vld [tilespmem:s0+$0x90]  }
0x8c: {  	v8 =	vld [tilespmem:s0+$0xA0];
	v2 =	vmul.f32 $1.131370830e+01, v5;
	[tilespmem:s0+$0x30] =	vst v0  }
0x8d: {  	v5 =	vmul.f32 $1.131370830e+01, v6;
	[tilespmem:s0+$0x40] =	vst v1;
	v0 =	vld [tilespmem:s0+$0xB0]  }
0x8e: {  	v6 =	vmul.f32 $1.131370830e+01, v7;
	[tilespmem:s0+$0x50] =	vst v2;
	v1 =	vld [tilespmem:s0+$0xC0]  }
0x8f: {  	[tilespmem:s0+$0x60] =	vst v5;
	v2 =	vld [tilespmem:s0+$0xD0];
	v7 =	vmul.f32 $1.131370830e+01, v3  }
0x90: {  	[tilespmem:s0+$0x70] =	vst v6;
	v3 =	vld [tilespmem:s0+$0xE0];
	v5 =	vmul.f32 $1.131370830e+01, v4  }
0x91: {  	s6 =	simm.s32 $0xE500;
	s15 =	simm.s32 $0x0;
	v6 =	vmul.f32 $1.131370830e+01, v8;
	v4 =	vld [tilespmem:s0+$0x0];
	[tilespmem:s0+$0x80] =	vst v7  }
.LBB2_7:
0x92: {  	v7 =	vld [tilespmem:s6+$0xF0];
	s15 =	sadd.s32 $0x2, s15;
	[tilespmem:s0+$0x90] =	vst v5;
	v0 =	vmul.f32 $1.131370830e+01, v0  }
0x93: {  	v5 =	vld [tilespmem:s6+$0x10];
	p0 =	slt.u32 s15, $0x7E;
	[tilespmem:s0+$0xA0] =	vst v6;
	v1 =	vmul.f32 $1.131370830e+01, v1  }
0x94: {  	v6 =	vld [tilespmem:s6+$0x20];
	[tilespmem:s0+$0xB0] =	vst v0;
	v0 =	vmul.f32 $1.131370830e+01, v2  }
0x95: {  	v2 =	vld [tilespmem:s6+$0x30];
	[tilespmem:s0+$0xC0] =	vst v1;
	v1 =	vmul.f32 $1.131370830e+01, v3  }
0x96: {  	v3 =	vld [tilespmem:s6+$0x40];
	v4 =	vmul.f32 $1.131370830e+01, v4;
	[tilespmem:s0+$0xD0] =	vst v0  }
0x97: {  	v0 =	vld [tilespmem:s6+$0x50];
	v7 =	vmul.f32 $1.131370830e+01, v7;
	[tilespmem:s0+$0xE0] =	vst v1  }
0x98: {  	v1 =	vmul.f32 $1.131370830e+01, v5;
	v5 =	vld [tilespmem:s6+$0x60];
	[tilespmem:s0+$0x0] =	vst v4;
	s0 =	smov.u32 s6  }
0x99: {  	v4 =	vmul.f32 $1.131370830e+01, v6;
	v6 =	vld [tilespmem:s6+$0x70];
	[tilespmem:s6+$0xF0] =	vst v7  }
0x9a: {  	[tilespmem:s6+$0x10] =	vst v1;
	v1 =	vmul.f32 $1.131370830e+01, v2;
	v2 =	vld [tilespmem:s6+$0x80]  }
0x9b: {  	[tilespmem:s6+$0x20] =	vst v4;
	v3 =	vmul.f32 $1.131370830e+01, v3;
	v4 =	vld [tilespmem:s6+$0x90]  }
0x9c: {  	[tilespmem:s6+$0x30] =	vst v1;
	v1 =	vmul.f32 $1.131370830e+01, v0;
	v7 =	vld [tilespmem:s6+$0xA0]  }
.Ltmp4:
0x9d: {  	[tilespmem:s6+$0x40] =	vst v3;
	v3 =	vmul.f32 $1.131370830e+01, v5;
	v0 =	vld [tilespmem:s6+$0xB0];
	(pc) =	sbr.rel @p0 .LBB2_7-.Ltmp4, $4  }
0x9e: {  	[tilespmem:s6+$0x50] =	vst v1;
	v5 =	vmul.f32 $1.131370830e+01, v6;
	v1 =	vld [tilespmem:s6+$0xC0]  }
0x9f: {  	[tilespmem:s6+$0x60] =	vst v3;
	v6 =	vmul.f32 $1.131370830e+01, v2;
	v2 =	vld [tilespmem:s6+$0xD0]  }
0xa0: {  	[tilespmem:s6+$0x70] =	vst v5;
	v5 =	vmul.f32 $1.131370830e+01, v4;
	v3 =	vld [tilespmem:s6+$0xE0]  }
0xa1: {  	s6 =	sadd.s32 $0x100, s6;
	v4 =	vld [tilespmem:s0+$0x0];
	[tilespmem:s0+$0x80] =	vst v6;
	v6 =	vmul.f32 $1.131370830e+01, v7  }
0xa2: {  	[tilespmem:s0+$0x90] =	vst v5;
	v0 =	vmul.f32 $1.131370830e+01, v0  }
0xa3: {  	[tilespmem:s0+$0xA0] =	vst v6;
	v1 =	vmul.f32 $1.131370830e+01, v1  }
0xa4: {  	[tilespmem:s0+$0xB0] =	vst v0;
	v0 =	vmul.f32 $1.131370830e+01, v2  }
0xa5: {  	[tilespmem:s0+$0xC0] =	vst v1;
	v1 =	vmul.f32 $1.131370830e+01, v3  }
0xa6: {  	s1 =	sadd.s32 s1, s8;
	v2 =	vmul.f32 $1.131370830e+01, v4;
	[tilespmem:s0+$0xD0] =	vst v0  }
0xa7: {  	p0 =	seq.s32 s29, $0x27;
	s1 =	sshll.u32 s1, $0x4;
	[tilespmem:s0+$0xE0] =	vst v1  }
0xa8: {  	s15 =	sadd.s32 s3, s1;
	s1 =	smul.u32 @!p0 $0xA00, s29;
	[tilespmem:s0+$0x0] =	vst v2;
	s0 =	simm.s32 @!p0 $0x6  }
0xa9: {  	[hbm4b:s15+s5] =	stream.linear.scatter [tilespmem:s16], [sflag:$0x8], $0x4000, $0x38;
	[tilespmem:$0x1A400] =	vst v63  }
0xaa: {  	_ =	swait.ge @!p0 [sflag:s0], $0x4000  }
0xab: {  	s6 =	simm.s32 @!p0 $0x80;
	s1 =	sshra.s32 @!p0 s1, $0x2;
	[sflag:s0] =	ssyncset.done @!p0 $0x0  }
0xac: {  	s15 =	simm.s32 @!p0 $0x6400;
	[sflag:s0] =	ssyncadd.s32 @!p0 $0xFFFFC000;
	s0 =	sadd.s32 @!p0 $0x280, s1  }
0xad: {  	[tilespmem:s15], [sflag:$0x1] =	stream.indirect.gather @!p0 [hbm4b:s2+s6], $0x80, s0, s6, $0xb8;
	[tilespmem:$0x1A400] =	vst v63  }
0xae: {  	_ =	swait.ge [sflag:s22], $0x4000  }
0xaf: {  	[sflag:s22] =	ssyncset.done $0x0  }
0xb0: {  	s0 =	simm.s32 $0x12400;
	[sflag:s22] =	ssyncadd.s32 $0xFFFFC000  }
0xb1: {  	v0 =	vld [tilespmem:s0+$0xF0]  }
0xb2: {  	v1 =	vld [tilespmem:s0+$0x10]  }
0xb3: {  	v2 =	vld [tilespmem:s0+$0x20]  }
0xb4: {  	v3 =	vld [tilespmem:s0+$0x30]  }
0xb5: {  	v4 =	vld [tilespmem:s0+$0x40]  }
0xb6: {  	v5 =	vld [tilespmem:s0+$0x50];
	v0 =	vmul.f32 $1.131370830e+01, v0  }
0xb7: {  	v6 =	vld [tilespmem:s0+$0x60];
	v1 =	vmul.f32 $1.131370830e+01, v1  }
0xb8: {  	v7 =	vld [tilespmem:s0+$0x70];
	v2 =	vmul.f32 $1.131370830e+01, v2;
	[tilespmem:s0+$0xF0] =	vst v0  }
0xb9: {  	[tilespmem:s0+$0x10] =	vst v1;
	v0 =	vmul.f32 $1.131370830e+01, v3;
	v3 =	vld [tilespmem:s0+$0x80]  }
0xba: {  	[tilespmem:s0+$0x20] =	vst v2;
	v1 =	vmul.f32 $1.131370830e+01, v4;
	v4 =	vld [tilespmem:s0+$0x90]  }
0xbb: {  	v8 =	vld [tilespmem:s0+$0xA0];
	v2 =	vmul.f32 $1.131370830e+01, v5;
	[tilespmem:s0+$0x30] =	vst v0  }
0xbc: {  	v5 =	vmul.f32 $1.131370830e+01, v6;
	[tilespmem:s0+$0x40] =	vst v1;
	v0 =	vld [tilespmem:s0+$0xB0]  }
0xbd: {  	v6 =	vmul.f32 $1.131370830e+01, v7;
	[tilespmem:s0+$0x50] =	vst v2;
	v1 =	vld [tilespmem:s0+$0xC0]  }
0xbe: {  	[tilespmem:s0+$0x60] =	vst v5;
	v2 =	vld [tilespmem:s0+$0xD0];
	v7 =	vmul.f32 $1.131370830e+01, v3  }
0xbf: {  	[tilespmem:s0+$0x70] =	vst v6;
	v3 =	vld [tilespmem:s0+$0xE0];
	v5 =	vmul.f32 $1.131370830e+01, v4  }
0xc0: {  	s15 =	simm.s32 $0x0;
	s6 =	simm.s32 $0x12500;
	v6 =	vmul.f32 $1.131370830e+01, v8;
	v4 =	vld [tilespmem:s0+$0x0];
	[tilespmem:s0+$0x80] =	vst v7  }
.LBB2_9:
0xc1: {  	v7 =	vld [tilespmem:s6+$0xF0];
	s15 =	sadd.s32 $0x2, s15;
	[tilespmem:s0+$0x90] =	vst v5;
	v0 =	vmul.f32 $1.131370830e+01, v0  }
0xc2: {  	v5 =	vld [tilespmem:s6+$0x10];
	p1 =	slt.u32 s15, $0x7E;
	[tilespmem:s0+$0xA0] =	vst v6;
	v1 =	vmul.f32 $1.131370830e+01, v1  }
0xc3: {  	v6 =	vld [tilespmem:s6+$0x20];
	[tilespmem:s0+$0xB0] =	vst v0;
	v0 =	vmul.f32 $1.131370830e+01, v2  }
0xc4: {  	v2 =	vld [tilespmem:s6+$0x30];
	[tilespmem:s0+$0xC0] =	vst v1;
	v1 =	vmul.f32 $1.131370830e+01, v3  }
0xc5: {  	v3 =	vld [tilespmem:s6+$0x40];
	v4 =	vmul.f32 $1.131370830e+01, v4;
	[tilespmem:s0+$0xD0] =	vst v0  }
0xc6: {  	v0 =	vld [tilespmem:s6+$0x50];
	v7 =	vmul.f32 $1.131370830e+01, v7;
	[tilespmem:s0+$0xE0] =	vst v1  }
0xc7: {  	v1 =	vmul.f32 $1.131370830e+01, v5;
	v5 =	vld [tilespmem:s6+$0x60];
	[tilespmem:s0+$0x0] =	vst v4;
	s0 =	smov.u32 s6  }
0xc8: {  	v4 =	vmul.f32 $1.131370830e+01, v6;
	v6 =	vld [tilespmem:s6+$0x70];
	[tilespmem:s6+$0xF0] =	vst v7  }
0xc9: {  	[tilespmem:s6+$0x10] =	vst v1;
	v1 =	vmul.f32 $1.131370830e+01, v2;
	v2 =	vld [tilespmem:s6+$0x80]  }
0xca: {  	[tilespmem:s6+$0x20] =	vst v4;
	v3 =	vmul.f32 $1.131370830e+01, v3;
	v4 =	vld [tilespmem:s6+$0x90]  }
0xcb: {  	[tilespmem:s6+$0x30] =	vst v1;
	v1 =	vmul.f32 $1.131370830e+01, v0;
	v7 =	vld [tilespmem:s6+$0xA0]  }
.Ltmp5:
0xcc: {  	[tilespmem:s6+$0x40] =	vst v3;
	v3 =	vmul.f32 $1.131370830e+01, v5;
	v0 =	vld [tilespmem:s6+$0xB0];
	(pc) =	sbr.rel @p1 .LBB2_9-.Ltmp5, $4  }
0xcd: {  	[tilespmem:s6+$0x50] =	vst v1;
	v5 =	vmul.f32 $1.131370830e+01, v6;
	v1 =	vld [tilespmem:s6+$0xC0]  }
0xce: {  	[tilespmem:s6+$0x60] =	vst v3;
	v6 =	vmul.f32 $1.131370830e+01, v2;
	v2 =	vld [tilespmem:s6+$0xD0]  }
0xcf: {  	[tilespmem:s6+$0x70] =	vst v5;
	v5 =	vmul.f32 $1.131370830e+01, v4;
	v3 =	vld [tilespmem:s6+$0xE0]  }
0xd0: {  	s6 =	sadd.s32 $0x100, s6;
	v4 =	vld [tilespmem:s0+$0x0];
	[tilespmem:s0+$0x80] =	vst v6;
	v6 =	vmul.f32 $1.131370830e+01, v7  }
0xd1: {  	[tilespmem:s0+$0x90] =	vst v5;
	v0 =	vmul.f32 $1.131370830e+01, v0  }
0xd2: {  	[tilespmem:s0+$0xA0] =	vst v6;
	v1 =	vmul.f32 $1.131370830e+01, v1  }
0xd3: {  	[tilespmem:s0+$0xB0] =	vst v0;
	v0 =	vmul.f32 $1.131370830e+01, v2  }
0xd4: {  	s6 =	sshll.u32 s30, $0xE;
	[tilespmem:s0+$0xC0] =	vst v1;
	v1 =	vmul.f32 $1.131370830e+01, v3  }
0xd5: {  	s6 =	sadd.s32 s9, s6;
	v2 =	vmul.f32 $1.131370830e+01, v4;
	[tilespmem:s0+$0xD0] =	vst v0  }
0xd6: {  	s6 =	sshrl.u32 s6, $0x3;
	[tilespmem:s0+$0xE0] =	vst v1  }
0xd7: {  	s30 =	sadd.s32 s3, s6;
	[tilespmem:s0+$0x0] =	vst v2;
	s0 =	simm.s32 @!p0 $0x7  }
0xd8: {  	[hbm4b:s30+s5] =	stream.linear.scatter [tilespmem:s18], [sflag:$0x9], $0x4000, $0x38;
	[tilespmem:$0x1A400] =	vst v63  }
0xd9: {  	_ =	swait.ge @!p0 [sflag:s0], $0x4000  }
0xda: {  	s6 =	simm.s32 @!p0 $0xA400;
	[sflag:s0] =	ssyncset.done @!p0 $0x0  }
0xdb: {  	[sflag:s0] =	ssyncadd.s32 @!p0 $0xFFFFC000;
	s0 =	sadd.s32 @!p0 $0x300, s1;
	s1 =	simm.s32 @!p0 $0x80  }
0xdc: {  	[tilespmem:s6], [sflag:$0x2] =	stream.indirect.gather @!p0 [hbm4b:s2+s1], $0x80, s0, s1, $0xb8;
	[tilespmem:$0x1A400] =	vst v63  }
0xdd: {  	_ =	swait.ge [sflag:s23], $0x4000  }
0xde: {  	[sflag:s23] =	ssyncset.done $0x0  }
0xdf: {  	s0 =	simm.s32 $0x16400;
	[sflag:s23] =	ssyncadd.s32 $0xFFFFC000  }
0xe0: {  	v0 =	vld [tilespmem:s0+$0xF0]  }
0xe1: {  	v1 =	vld [tilespmem:s0+$0x10]  }
0xe2: {  	v2 =	vld [tilespmem:s0+$0x20]  }
0xe3: {  	v3 =	vld [tilespmem:s0+$0x30]  }
0xe4: {  	v4 =	vld [tilespmem:s0+$0x40]  }
0xe5: {  	v5 =	vld [tilespmem:s0+$0x50];
	v0 =	vmul.f32 $1.131370830e+01, v0  }
0xe6: {  	v6 =	vld [tilespmem:s0+$0x60];
	v1 =	vmul.f32 $1.131370830e+01, v1  }
0xe7: {  	v7 =	vld [tilespmem:s0+$0x70];
	v2 =	vmul.f32 $1.131370830e+01, v2;
	[tilespmem:s0+$0xF0] =	vst v0  }
0xe8: {  	[tilespmem:s0+$0x10] =	vst v1;
	v0 =	vmul.f32 $1.131370830e+01, v3;
	v3 =	vld [tilespmem:s0+$0x80]  }
0xe9: {  	[tilespmem:s0+$0x20] =	vst v2;
	v1 =	vmul.f32 $1.131370830e+01, v4;
	v4 =	vld [tilespmem:s0+$0x90]  }
0xea: {  	v8 =	vld [tilespmem:s0+$0xA0];
	v2 =	vmul.f32 $1.131370830e+01, v5;
	[tilespmem:s0+$0x30] =	vst v0  }
0xeb: {  	v5 =	vmul.f32 $1.131370830e+01, v6;
	[tilespmem:s0+$0x40] =	vst v1;
	v0 =	vld [tilespmem:s0+$0xB0]  }
0xec: {  	v6 =	vmul.f32 $1.131370830e+01, v7;
	[tilespmem:s0+$0x50] =	vst v2;
	v1 =	vld [tilespmem:s0+$0xC0]  }
0xed: {  	[tilespmem:s0+$0x60] =	vst v5;
	v2 =	vld [tilespmem:s0+$0xD0];
	v7 =	vmul.f32 $1.131370830e+01, v3  }
0xee: {  	[tilespmem:s0+$0x70] =	vst v6;
	v3 =	vld [tilespmem:s0+$0xE0];
	v5 =	vmul.f32 $1.131370830e+01, v4  }
0xef: {  	s1 =	simm.s32 $0x0;
	s6 =	simm.s32 $0x16500;
	v6 =	vmul.f32 $1.131370830e+01, v8;
	v4 =	vld [tilespmem:s0+$0x0];
	[tilespmem:s0+$0x80] =	vst v7  }
.LBB2_11:
0xf0: {  	v7 =	vld [tilespmem:s6+$0xF0];
	s1 =	sadd.s32 $0x2, s1;
	[tilespmem:s0+$0x90] =	vst v5;
	v0 =	vmul.f32 $1.131370830e+01, v0  }
0xf1: {  	v5 =	vld [tilespmem:s6+$0x10];
	p1 =	slt.u32 s1, $0x7E;
	[tilespmem:s0+$0xA0] =	vst v6;
	v1 =	vmul.f32 $1.131370830e+01, v1  }
0xf2: {  	v6 =	vld [tilespmem:s6+$0x20];
	[tilespmem:s0+$0xB0] =	vst v0;
	v0 =	vmul.f32 $1.131370830e+01, v2  }
0xf3: {  	v2 =	vld [tilespmem:s6+$0x30];
	[tilespmem:s0+$0xC0] =	vst v1;
	v1 =	vmul.f32 $1.131370830e+01, v3  }
0xf4: {  	v3 =	vld [tilespmem:s6+$0x40];
	v4 =	vmul.f32 $1.131370830e+01, v4;
	[tilespmem:s0+$0xD0] =	vst v0  }
0xf5: {  	v0 =	vld [tilespmem:s6+$0x50];
	v7 =	vmul.f32 $1.131370830e+01, v7;
	[tilespmem:s0+$0xE0] =	vst v1  }
0xf6: {  	v1 =	vmul.f32 $1.131370830e+01, v5;
	v5 =	vld [tilespmem:s6+$0x60];
	[tilespmem:s0+$0x0] =	vst v4;
	s0 =	smov.u32 s6  }
0xf7: {  	v4 =	vmul.f32 $1.131370830e+01, v6;
	v6 =	vld [tilespmem:s6+$0x70];
	[tilespmem:s6+$0xF0] =	vst v7  }
0xf8: {  	[tilespmem:s6+$0x10] =	vst v1;
	v1 =	vmul.f32 $1.131370830e+01, v2;
	v2 =	vld [tilespmem:s6+$0x80]  }
0xf9: {  	[tilespmem:s6+$0x20] =	vst v4;
	v3 =	vmul.f32 $1.131370830e+01, v3;
	v4 =	vld [tilespmem:s6+$0x90]  }
0xfa: {  	[tilespmem:s6+$0x30] =	vst v1;
	v1 =	vmul.f32 $1.131370830e+01, v0;
	v7 =	vld [tilespmem:s6+$0xA0]  }
.Ltmp6:
0xfb: {  	[tilespmem:s6+$0x40] =	vst v3;
	v3 =	vmul.f32 $1.131370830e+01, v5;
	v0 =	vld [tilespmem:s6+$0xB0];
	(pc) =	sbr.rel @p1 .LBB2_11-.Ltmp6, $4  }
0xfc: {  	[tilespmem:s6+$0x50] =	vst v1;
	v5 =	vmul.f32 $1.131370830e+01, v6;
	v1 =	vld [tilespmem:s6+$0xC0]  }
0xfd: {  	[tilespmem:s6+$0x60] =	vst v3;
	v6 =	vmul.f32 $1.131370830e+01, v2;
	v2 =	vld [tilespmem:s6+$0xD0]  }
0xfe: {  	[tilespmem:s6+$0x70] =	vst v5;
	v5 =	vmul.f32 $1.131370830e+01, v4;
	v3 =	vld [tilespmem:s6+$0xE0]  }
0xff: {  	s6 =	sadd.s32 $0x100, s6;
	v4 =	vld [tilespmem:s0+$0x0];
	[tilespmem:s0+$0x80] =	vst v6;
	v6 =	vmul.f32 $1.131370830e+01, v7  }
0x100: {  	[tilespmem:s0+$0x90] =	vst v5;
	v0 =	vmul.f32 $1.131370830e+01, v0  }
0x101: {  	[tilespmem:s0+$0xA0] =	vst v6;
	v1 =	vmul.f32 $1.131370830e+01, v1  }
0x102: {  	[tilespmem:s0+$0xB0] =	vst v0;
	v61 =	vmul.f32 $1.131370830e+01, v2  }
0x103: {  	s1 =	sshll.u32 s31, $0xE;
	[tilespmem:s0+$0xC0] =	vst v1;
	v62 =	vmul.f32 $1.131370830e+01, v3  }
0x104: {  	s1 =	sadd.s32 s9, s1;
	v63 =	vmul.f32 $1.131370830e+01, v4;
	[tilespmem:s0+$0xD0] =	vst v61  }
0x105: {  	s1 =	sshrl.u32 s1, $0x3;
	[tilespmem:s0+$0xE0] =	vst v62  }
.Ltmp7:
0x106: {  	s31 =	sadd.s32 s3, s1;
	[tilespmem:s0+$0x0] =	vst v63;
	(pc) =	sbr.rel @p0 .LBB2_14-.Ltmp7, $4  }
0x107: {  	[hbm4b:s31+s5] =	stream.linear.scatter [tilespmem:s20], [sflag:$0xA], $0x4000, $0x38;
	[tilespmem:$0x1A400] =	vst v63  }
0x108: {  	_ =	swait.ge [sflag:s24], $0x4000  }
0x109: {  	[sflag:s24] =	ssyncset.done $0x0  }
0x10a: {  	[sflag:s24] =	ssyncadd.s32 $0xFFFFC000  }
0x10b: {  	s0 =	smul.u32 $0xA00, s29  }
.Ltmp8:
0x10c: {  	_ = 	snop;
	(pc) =	sbr.rel .LBB2_2-.Ltmp8, $4  }
0x10d: {  	_ = 	snop  }
0x10e: {  	s0 =	sshra.s32 s0, $0x2  }
0x10f: {  	s29 =	sadd.s32 $0x1, s29;
	s0 =	sadd.s32 $0x380, s0  }
0x110: {  	[tilespmem:s16], [sflag:$0x3] =	stream.indirect.gather [hbm4b:s2+s12], $0x80, s0, s12, $0xb8;
	[tilespmem:$0x1A400] =	vst v63  }
.LBB2_15:
0x111: {  	_ =	sfence.sel $0x180000  }
0x112: {  	[bflag:$0x0] =	sbarrier.arrive $0xFFFF  }
0x113: {  	_ =	strace $0x90000047  }
0x114: {  	s0 =	stileid.u32;
	[bflag:$0x2] =	sbarrier.arrive $0xFFFF  }
0x115: {  	p0 =	sne.s32 s0, $0x0;
	s0 =	rddreg [dreg:$0x3]  }
0x116: {  	s0 =	sadd.s32 @!p0 $0x100000, s0  }
0x117: {  	[sflag:s0] =	ssyncadd.tile.s32 @!p0 $0x1;
	_ =	shalt  }
.Lfunc_end2:
_tile_overlayer_lowered:
.L_overlay_start_2:
0x118: {  	(tag) =	ssettag $0x2  }
0x119: {  	s0 =	rddreg [dreg:$0x0];
	s2 =	stileid.u32  }
0x11a: {  	s1 =	rddreg [dreg:$0x1];
	p0 =	sne.s32 s2, $0x0  }
0x11b: {  	s3 =	rddreg [dreg:$0x2];
	[bflag:$0x3] =	sbarrier.arrive $0xFFFF;
	s2 =	simm.s32 @!p0 $0x1C0B  }
0x11c: {  	[timem:s3], [sflag:s2] =	dma.local @!p0 [hbm:s0], s1  }
0x11d: {  	s0 =	simm.s32 @!p0 $0xB  }
0x11e: {  	_ =	swait.ge @!p0 [sflag:s0], s1  }
0x11f: {  	s1 =	ssub.s32 @!p0 $0x0, s1;
	[sflag:s0] =	ssyncset.done @!p0 $0x0  }
0x120: {  	[sflag:s0] =	ssyncadd.s32 @!p0 s1  }
0x121: {  	[bflag:$0x3] =	sbarrier.arrive $0xFFFF  }
0x122: {  	_ =	shalt  }

</sc_bundles>
